<compile_context>
chip_gen: v7x
topology: tpu7x:2x2x1
jax: 0.10.2.dev20260603
libtpu: 0.0.44.dev20260713+nightly
codegen_flags: <defaults>
</compile_context>

<pallas_src>
import functools

import jax
import jax.numpy as jnp
from jax import lax
from jax.experimental import pallas as pl
from jax.experimental.pallas import tpu as pltpu
from jax.experimental.pallas import tpu_sc as plsc

Q, K, C, TOPK = 4096, 16384, 256, 16


BQ = 128
CHK = 512
NCH = K // CHK

_INF = float("inf")


NSL = CHK // 128
NSEG = 128
RMAX = TOPK


def _topk_body(q_ref, pt_ref, qq_ref, pp_ref, idx_ref, d2_scr, cv_scr, cc_scr):
    def compute(c, carry):
        cross = jnp.dot(q_ref[...], pt_ref[c])
        d2_scr[c] = qq_ref[...] - 2.0 * cross + pp_ref[c]
        return carry

    lax.fori_loop(0, NCH, compute, 0, unroll=False)

    lane = lax.broadcasted_iota(jnp.int32, (BQ, NSEG), 1).astype(jnp.float32)
    out_lane = lax.broadcasted_iota(jnp.int32, (BQ, TOPK), 1)
    inf_v = jnp.full((BQ, NSEG), _INF, jnp.float32)
    big_c = jnp.full((BQ, NSEG), float(K), jnp.float32)
    for r in range(RMAX):
        cv_scr[r] = inf_v
        cc_scr[r] = big_c

    def round_cond(carry):
        r, _, _, done = carry
        return jnp.logical_and(r < RMAX, jnp.logical_not(done))

    def round_body(carry):
        r, f_v, f_c, _ = carry

        def chunk(c, mc):
            m, am = mc
            d2c = d2_scr[c]
            for s in range(NSL):
                blk = d2c[:, s * 128:(s + 1) * 128]
                cols = lane + (c * CHK + s * 128).astype(jnp.float32)
                ok = (blk > f_v) | ((blk == f_v) & (cols > f_c))
                cand = jnp.where(ok, blk, _INF)
                lt = (cand < m) | ((cand == m) & (cols < am))
                m = jnp.where(lt, cand, m)
                am = jnp.where(lt, cols, am)
            return (m, am)

        m, am = lax.fori_loop(0, NCH, chunk, (inf_v, big_c), unroll=False)
        cv_scr[r] = m
        cc_scr[r] = am
        fv = jnp.min(m, axis=1, keepdims=True)
        fc = jnp.min(jnp.where(m == fv, am, float(K)), axis=1, keepdims=True)

        def count(rr, cnt):
            v = cv_scr[rr]
            cc = cc_scr[rr]
            hit = (v < fv) | ((v == fv) & (cc <= fc))
            return cnt + jnp.sum(hit.astype(jnp.int32), axis=1, keepdims=True)

        cnt = lax.fori_loop(0, r + 1, count,
                            jnp.zeros((BQ, 1), jnp.int32), unroll=False)
        done = jnp.min(cnt) >= TOPK
        return (r + 1, m, am, done)

    r_fin, _, _, _ = lax.while_loop(
        round_cond, round_body,
        (jnp.int32(0),
         jnp.full((BQ, NSEG), -_INF, jnp.float32),
         jnp.full((BQ, NSEG), -1.0, jnp.float32),
         jnp.bool_(False)))

    def extract(j, carry):
        m_prev, a_prev, acc = carry

        def cslice(rr, mc):
            m, am = mc
            v = cv_scr[rr]
            cc = cc_scr[rr]
            ok = (v > m_prev) | ((v == m_prev) & (cc > a_prev))
            cand = jnp.where(ok, v, _INF)
            lt = (cand < m) | ((cand == m) & (cc < am))
            return (jnp.where(lt, cand, m), jnp.where(lt, cc, am))

        mv, mc_ = lax.fori_loop(0, r_fin, cslice, (inf_v, big_c),
                                unroll=False)
        m = jnp.min(mv, axis=1, keepdims=True)
        am = jnp.min(jnp.where(mv == m, mc_, float(K)), axis=1, keepdims=True)
        acc = jnp.where(out_lane == j, jnp.broadcast_to(am, (BQ, TOPK)), acc)
        return (m, am, acc)

    _, _, acc = lax.fori_loop(
        0, TOPK, extract,
        (jnp.full((BQ, 1), -_INF, jnp.float32),
         jnp.full((BQ, 1), -1.0, jnp.float32),
         jnp.zeros((BQ, TOPK), jnp.float32)),
        unroll=False)
    idx_ref[...] = acc.astype(jnp.int32)


def _topk_call(queries, ptc, qq, ppc):
    return pl.pallas_call(
        _topk_body,
        grid=(Q // BQ,),
        in_specs=[
            pl.BlockSpec((BQ, 3), lambda i: (i, 0)),
            pl.BlockSpec((NCH, 3, CHK), lambda i: (0, 0, 0)),
            pl.BlockSpec((BQ, 1), lambda i: (i, 0)),
            pl.BlockSpec((NCH, 1, CHK), lambda i: (0, 0, 0)),
        ],
        out_specs=pl.BlockSpec((BQ, TOPK), lambda i: (i, 0)),
        out_shape=jax.ShapeDtypeStruct((Q, TOPK), jnp.int32),
        scratch_shapes=[pltpu.VMEM((NCH, BQ, CHK), jnp.float32),
                        pltpu.VMEM((RMAX, BQ, NSEG), jnp.float32),
                        pltpu.VMEM((RMAX, BQ, NSEG), jnp.float32)],
    )(queries, ptc, qq, ppc)



_NW = 32
_ROWS_PER_W = (TOPK * Q) // _NW
_GCH = 128


def _gather_body(table_hbm, idx_hbm, out_hbm, idx_v, rows_v, sem):
    wid = lax.axis_index("s") * 2 + lax.axis_index("c")
    base0 = wid * _ROWS_PER_W

    def step(t, carry):
        base = base0 + t * _GCH
        pltpu.sync_copy(idx_hbm.at[pl.ds(base, _GCH)], idx_v)
        pltpu.async_copy(table_hbm.at[idx_v], rows_v, sem).wait()
        pltpu.sync_copy(rows_v, out_hbm.at[pl.ds(base, _GCH)])
        return carry

    lax.fori_loop(0, _ROWS_PER_W // _GCH, step, 0)


_gather = pl.kernel(
    _gather_body,
    out_type=jax.ShapeDtypeStruct((TOPK * Q, C), jnp.float32),
    mesh=plsc.VectorSubcoreMesh(core_axis_name="c", subcore_axis_name="s"),
    scratch_types=[
        pltpu.VMEM((_GCH,), jnp.int32),
        pltpu.VMEM((_GCH, C), jnp.float32),
        pltpu.SemaphoreType.DMA,
    ],
)



BQ3 = 256
NB3 = Q // BQ3
N3 = BQ3 * C


def _mlp_body(g_ref, w1t_ref, b1_ref, w2t_ref, b2_ref, o_ref):
    h = jnp.dot(w1t_ref[...], g_ref[...])
    h = jnp.maximum(h + b1_ref[...], 0.0)
    o = jnp.dot(w2t_ref[...], h) + b2_ref[...]
    o_ref[...] = o.reshape(1, 1, N3)


def _mlp_call(gflat, w1t, b1c, w2t, b2c):
    return pl.pallas_call(
        _mlp_body,
        grid=(NB3,),
        in_specs=[
            pl.BlockSpec((TOPK, N3), lambda i: (0, i)),
            pl.BlockSpec((TOPK, TOPK), lambda i: (0, 0)),
            pl.BlockSpec((TOPK, 1), lambda i: (0, 0)),
            pl.BlockSpec((1, TOPK), lambda i: (0, 0)),
            pl.BlockSpec((1, 1), lambda i: (0, 0)),
        ],
        out_specs=pl.BlockSpec((1, 1, N3), lambda i: (i, 0, 0)),
        out_shape=jax.ShapeDtypeStruct((NB3, 1, N3), jnp.float32),
    )(gflat, w1t, b1c, w2t, b2c)



def kernel(queries, keys, point_feats, bev_feats, W1, b1, W2, b2, R, t):
    proj = keys @ R.T + t
    qq = jnp.sum(queries * queries, axis=1, keepdims=True)
    pp = jnp.sum(proj * proj, axis=1)[None, :]
    ptc = proj.T.reshape(3, NCH, CHK).transpose(1, 0, 2)
    ppc = pp.reshape(1, NCH, CHK).transpose(1, 0, 2)

    idx = _topk_call(queries, ptc, qq, ppc)
    idx_flat = idx.T.reshape(TOPK * Q)

    g = _gather(point_feats, idx_flat)
    gflat = g.reshape(TOPK, Q * C)

    hb = _mlp_call(gflat, W1.T, b1.reshape(TOPK, 1),
                   W2.T, b2.reshape(1, 1))
    h = hb.reshape(Q, C)
    return jnp.concatenate([bev_feats, h], axis=-1)

# --- scband reference (transcript-rebuilt; emitter-appended) ---
"""Pipeline reference for scband-dense-fusion-block-3393024164611 (READ-ONLY COPY).

The authoritative reference and input builder live on the scoring server;
editing this copy changes nothing except your own understanding.
"""

import jax, jax.numpy as jnp
import numpy as np

Q, K, C, TOPK = 4096, 16384, 256, 16

def setup_inputs(seed: int = 0) -> dict:
    key = jax.random.key(seed)
    ks = jax.random.split(key, 8)
    queries = jax.random.normal(ks[0], (Q, 3), dtype=jnp.float32)
    keys = jax.random.normal(ks[1], (K, 3), dtype=jnp.float32)
    point_feats = jax.random.normal(ks[2], (K, C), dtype=jnp.float32)
    bev_feats = jax.random.normal(ks[3], (Q, C), dtype=jnp.float32)
    # MLP params per init_kwargs: Linear(k, k) then Linear(k, 1)
    W1 = jax.random.normal(ks[4], (TOPK, TOPK), dtype=jnp.float32) / np.sqrt(TOPK)
    b1 = jnp.zeros((TOPK,), dtype=jnp.float32)
    W2 = jax.random.normal(ks[5], (TOPK, 1), dtype=jnp.float32) / np.sqrt(TOPK)
    b2 = jnp.zeros((1,), dtype=jnp.float32)
    # rotation_matrix / translation_vector init constants (extrinsic calibration)
    R = jnp.eye(3, dtype=jnp.float32)
    t = jnp.zeros((3,), dtype=jnp.float32)
    return {"queries": queries, "keys": keys, "point_feats": point_feats,
            "bev_feats": bev_feats, "W1": W1, "b1": b1, "W2": W2, "b2": b2,
            "R": R, "t": t}

def reference(queries, keys, point_feats, bev_feats, W1, b1, W2, b2, R, t):
    # Project LIDAR points into the BEV/query frame using calibration (R, t)
    proj = keys @ R.T + t  # [K, 3]
    # Pairwise squared distances between BEV query locations and projected points
    d2 = (jnp.sum(queries * queries, axis=1, keepdims=True)
          - 2.0 * (queries @ proj.T)
          + jnp.sum(proj * proj, axis=1)[None, :])  # [Q, K]
    # k nearest LIDAR points per BEV pixel
    _, idx = jax.lax.top_k(-d2, TOPK)  # [Q, TOPK]
    # Gather corresponding image (geometric) features
    feats = jnp.take(point_feats, idx, axis=0)  # [Q, TOPK, C]
    # MLP over the k retrieved neighbors (Linear(k,k) -> ReLU -> Linear(k,1))
    h = jnp.swapaxes(feats, 1, 2)  # [Q, C, TOPK]
    h = jax.nn.relu(h @ W1 + b1)   # [Q, C, TOPK]
    h = (h @ W2 + b2)[..., 0]      # [Q, C] image output feature
    # Fused feature = BEV feature concatenated with image output feature
    fused = jnp.concatenate([bev_feats, h], axis=-1)  # [Q, 2C]
    return fused

if __name__ == "__main__":
    import jax
    _d = setup_inputs()
    print(jax.jit(kernel)(*tuple(_d.values())))

</pallas_src>

<mosaic_0001>
#map = affine_map<(d0, d1) -> (0, 0)>
#map1 = affine_map<(d0, d1) -> (0)>
module attributes {stable_mosaic.version = 14 : i64} {
  func.func @_gather_body(%arg0: i32, %arg1: i32, %arg2: memref<16384x256xf32, #tpu.memory_space<hbm>>, %arg3: memref<65536xi32, #tpu.memory_space<hbm>>, %arg4: memref<65536x256xf32, #tpu.memory_space<hbm>>, %arg5: memref<128xi32, #tpu.memory_space<vmem>>, %arg6: memref<128x256xf32, #tpu.memory_space<vmem>>, %arg7: memref<!tpu.dma_semaphore, #tpu.memory_space<semaphore_mem>>) attributes {dimension_semantics = [#tpu.dimension_semantics<core_parallel>, #tpu.dimension_semantics<subcore_parallel>], iteration_bounds = array<i64: 2, 16>, scalar_prefetch = 0 : i64, scratch_operands = 3 : i64, tpu.core_type = #tpu.core_type<sc_vector_subcore>, window_params = [{transform_indices = #map}, {transform_indices = #map1}, {transform_indices = #map}]} {
    %mul3A = arith.constant 2 : i32
    %mul3A_0 = arith.muli %arg1, %mul3A : i32
    %add3A = arith.addi %mul3A_0, %arg0 : i32
    %mul3A_1 = arith.constant 2048 : i32
    %mul3A_2 = arith.muli %add3A, %mul3A_1 : i32
    %scan3A = arith.constant 0 : i32
    %scan3A_3 = arith.constant 0 : i32
    %scan3A_4 = arith.constant 16 : i32
    %scan3A_5 = arith.addi %scan3A_3, %scan3A_4 : i32
    %scan3A_6 = arith.constant 1 : i32
    scf.for %scan3A_8 = %scan3A_3 to %scan3A_5 step %scan3A_6  : i32 {
      %mul3A_9 = arith.constant 128 : i32
      %mul3A_10 = arith.muli %scan3A_8, %mul3A_9 : i32
      %add3A_11 = arith.addi %mul3A_2, %mul3A_10 : i32
      "tpu.region"() ({
        %run_scoped3A = tpu.sem_alloc : memref<!tpu.dma_semaphore, #tpu.memory_space<semaphore_mem>>
        %dma_start3A_16 = tpu.memref_slice %arg3[%add3A_11] : memref<65536xi32, #tpu.memory_space<hbm>> -> memref<128xi32, #tpu.memory_space<hbm>>
        %dma_start3A_17 = tpu.memref_slice %arg3[%add3A_11] : memref<65536xi32, #tpu.memory_space<hbm>> -> memref<128xi32, #tpu.memory_space<hbm>>
        tpu.enqueue_dma source(%dma_start3A_17 : memref<128xi32, #tpu.memory_space<hbm>>) target(%arg5 : memref<128xi32, #tpu.memory_space<vmem>>) target_semaphore(%run_scoped3A : memref<!tpu.dma_semaphore, #tpu.memory_space<semaphore_mem>>)
        %dma_wait3A_18 = tpu.memref_slice %arg3[%add3A_11] : memref<65536xi32, #tpu.memory_space<hbm>> -> memref<128xi32, #tpu.memory_space<hbm>>
        %dma_wait3A_19 = tpu.memref_slice %arg3[%add3A_11] : memref<65536xi32, #tpu.memory_space<hbm>> -> memref<128xi32, #tpu.memory_space<hbm>>
        tpu.wait_dma2 semaphore(%run_scoped3A : memref<!tpu.dma_semaphore, #tpu.memory_space<semaphore_mem>>) src(%dma_wait3A_19 : memref<128xi32, #tpu.memory_space<hbm>>) dst(%arg5 : memref<128xi32, #tpu.memory_space<vmem>>)
        tpu.yield
      }) : () -> ()
      %dma_start3A = arith.constant 0 : i32
      %dma_start3A_12 = arith.constant 0 : i32
      %dma_start3A_13 = tpu.memref_slice %arg2[%dma_start3A, %dma_start3A_12] : memref<16384x256xf32, #tpu.memory_space<hbm>> -> memref<16384x256xf32, #tpu.memory_space<hbm>>
      tpu.enqueue_indirect_dma source(%dma_start3A_13 : memref<16384x256xf32, #tpu.memory_space<hbm>>) target(%arg6 : memref<128x256xf32, #tpu.memory_space<vmem>>) offsets(%arg5 : memref<128xi32, #tpu.memory_space<vmem>>) semaphore(%arg7 : memref<!tpu.dma_semaphore, #tpu.memory_space<semaphore_mem>>)
      %dma_wait3A = arith.constant 0 : i32
      %dma_wait3A_14 = arith.constant 0 : i32
      %dma_wait3A_15 = tpu.memref_slice %arg2[%dma_wait3A, %dma_wait3A_14] : memref<16384x256xf32, #tpu.memory_space<hbm>> -> memref<16384x256xf32, #tpu.memory_space<hbm>>
      tpu.wait_indirect_dma semaphore(%arg7 : memref<!tpu.dma_semaphore, #tpu.memory_space<semaphore_mem>>) src(%dma_wait3A_15 : memref<16384x256xf32, #tpu.memory_space<hbm>>) dst(%arg6 : memref<128x256xf32, #tpu.memory_space<vmem>>)
      "tpu.region"() ({
        %run_scoped3A = tpu.sem_alloc : memref<!tpu.dma_semaphore, #tpu.memory_space<semaphore_mem>>
        %dma_start3A_16 = arith.constant 0 : i32
        %dma_start3A_17 = tpu.memref_slice %arg4[%add3A_11, %dma_start3A_16] : memref<65536x256xf32, #tpu.memory_space<hbm>> -> memref<128x256xf32, #tpu.memory_space<hbm>>
        %dma_start3A_18 = arith.constant 0 : i32
        %dma_start3A_19 = tpu.memref_slice %arg4[%add3A_11, %dma_start3A_18] : memref<65536x256xf32, #tpu.memory_space<hbm>> -> memref<128x256xf32, #tpu.memory_space<hbm>>
        tpu.enqueue_dma source(%arg6 : memref<128x256xf32, #tpu.memory_space<vmem>>) target(%dma_start3A_19 : memref<128x256xf32, #tpu.memory_space<hbm>>) target_semaphore(%run_scoped3A : memref<!tpu.dma_semaphore, #tpu.memory_space<semaphore_mem>>)
        %dma_wait3A_20 = arith.constant 0 : i32
        %dma_wait3A_21 = tpu.memref_slice %arg4[%add3A_11, %dma_wait3A_20] : memref<65536x256xf32, #tpu.memory_space<hbm>> -> memref<128x256xf32, #tpu.memory_space<hbm>>
        %dma_wait3A_22 = arith.constant 0 : i32
        %dma_wait3A_23 = tpu.memref_slice %arg4[%add3A_11, %dma_wait3A_22] : memref<65536x256xf32, #tpu.memory_space<hbm>> -> memref<128x256xf32, #tpu.memory_space<hbm>>
        tpu.wait_dma2 semaphore(%run_scoped3A : memref<!tpu.dma_semaphore, #tpu.memory_space<semaphore_mem>>) src(%arg6 : memref<128x256xf32, #tpu.memory_space<vmem>>) dst(%dma_wait3A_23 : memref<128x256xf32, #tpu.memory_space<hbm>>)
        tpu.yield
      }) : () -> ()
    }
    %scan3A_7 = arith.constant 16 : i32
    return
  }
}

module attributes {stable_mosaic.version = 14 : i64} {
  func.func @_topk_body(%arg0: i32, %arg1: memref<128x3xf32, #tpu.memory_space<vmem>>, %arg2: memref<32x3x512xf32, #tpu.memory_space<vmem>>, %arg3: memref<128x1xf32, #tpu.memory_space<vmem>>, %arg4: memref<32x1x512xf32, #tpu.memory_space<vmem>>, %arg5: memref<128x16xi32, #tpu.memory_space<vmem>>, %arg6: memref<32x128x512xf32, #tpu.memory_space<vmem>>, %arg7: memref<16x128x128xf32, #tpu.memory_space<vmem>>, %arg8: memref<16x128x128xf32, #tpu.memory_space<vmem>>) attributes {dimension_semantics = [#tpu.dimension_semantics<arbitrary>], iteration_bounds = array<i64: 32>, scalar_prefetch = 0 : i64, scratch_operands = 3 : i64, tpu.core_type = #tpu.core_type<tc>, window_params = [{transform_indices = @transform_0, window_bounds = array<i64: 128, 3>}, {pipeline_mode = #tpu.pipeline_mode<synchronous>, transform_indices = @transform_1, window_bounds = array<i64: 32, 3, 512>}, {transform_indices = @transform_2, window_bounds = array<i64: 128, 1>}, {pipeline_mode = #tpu.pipeline_mode<synchronous>, transform_indices = @transform_3, window_bounds = array<i64: 32, 1, 512>}, {transform_indices = @transform_4, window_bounds = array<i64: 128, 16>}]} {
    %scan3A = arith.constant 0 : i32
    %scan3A_0 = arith.constant 32 : i32
    %scan3A_1 = arith.addi %scan3A, %scan3A_0 : i32
    %scan3A_2 = arith.constant 1 : i32
    scf.for %scan3A_221 = %scan3A to %scan3A_1 step %scan3A_2  : i32 {
      %get3A = arith.constant 0 : index
      %get3A_222 = arith.constant 0 : index
      %get3A_223 = vector.load %arg1[%get3A, %get3A_222] : memref<128x3xf32, #tpu.memory_space<vmem>>, vector<128x3xf32>
      %get3A_224 = arith.index_cast %scan3A_221 : i32 to index
      %get3A_225 = arith.constant 0 : index
      %get3A_226 = arith.constant 0 : index
      %get3A_227 = vector.load %arg2[%get3A_224, %get3A_225, %get3A_226] : memref<32x3x512xf32, #tpu.memory_space<vmem>>, vector<1x3x512xf32>
      %get3A_228 = vector.shape_cast %get3A_227 : vector<1x3x512xf32> to vector<3x512xf32>
      %dot_general3A = arith.constant dense<0.000000e+00> : vector<128x512xf32>
      %dot_general3A_229 = tpu.matmul %get3A_223, %get3A_228, %dot_general3A {dimension_numbers = #tpu.dot_dimension_numbers<[1], [0], [0], [1], [0, 0, 1, 1], [], []>, transpose_lhs_hint = false} : vector<128x3xf32>, vector<3x512xf32>, vector<128x512xf32> -> vector<128x512xf32>
      %get3A_230 = arith.constant 0 : index
      %get3A_231 = arith.constant 0 : index
      %get3A_232 = vector.load %arg3[%get3A_230, %get3A_231] : memref<128x1xf32, #tpu.memory_space<vmem>>, vector<128x1xf32>
      %mul3A = arith.constant 2.000000e+00 : f32
      %mul3A_233 = vector.broadcast %mul3A : f32 to vector<128x512xf32>
      %mul3A_234 = arith.mulf %mul3A_233, %dot_general3A_229 : vector<128x512xf32>
      %sub3A = vector.broadcast %get3A_232 : vector<128x1xf32> to vector<128x512xf32>
      %sub3A_235 = arith.subf %sub3A, %mul3A_234 : vector<128x512xf32>
      %get3A_236 = arith.index_cast %scan3A_221 : i32 to index
      %get3A_237 = arith.constant 0 : index
      %get3A_238 = arith.constant 0 : index
      %get3A_239 = vector.load %arg4[%get3A_236, %get3A_237, %get3A_238] : memref<32x1x512xf32, #tpu.memory_space<vmem>>, vector<1x1x512xf32>
      %get3A_240 = vector.shape_cast %get3A_239 : vector<1x1x512xf32> to vector<1x512xf32>
      %add3A = vector.broadcast %get3A_240 : vector<1x512xf32> to vector<128x512xf32>
      %add3A_241 = arith.addf %sub3A_235, %add3A : vector<128x512xf32>
      %swap3A_242 = arith.index_cast %scan3A_221 : i32 to index
      %swap3A_243 = arith.constant 0 : index
      %swap3A_244 = arith.constant 0 : index
      %swap3A_245 = vector.load %arg6[%swap3A_242, %swap3A_243, %swap3A_244] : memref<32x128x512xf32, #tpu.memory_space<vmem>>, vector<1x128x512xf32>
      %swap3A_246 = vector.shape_cast %swap3A_245 : vector<1x128x512xf32> to vector<128x512xf32>
      %swap3A_247 = vector.shape_cast %add3A_241 : vector<128x512xf32> to vector<1x128x512xf32>
      tpu.vector_store %arg6[%swap3A_242, %swap3A_243, %swap3A_244], %swap3A_247 {strides = array<i32>} : memref<32x128x512xf32, #tpu.memory_space<vmem>>, vector<1x128x512xf32>,
    }
    %scan3A_3 = arith.constant 32 : i32
    %iota3A = tpu.iota {dimensions = array<i32: 1>} : vector<128x128xi32>
    %convert_element_type3A = arith.sitofp %iota3A : vector<128x128xi32> to vector<128x128xf32>
    %iota3A_4 = tpu.iota {dimensions = array<i32: 1>} : vector<128x16xi32>
    %broadcast_in_dim3A = arith.constant 0x7F800000 : f32
    %broadcast_in_dim3A_5 = vector.broadcast %broadcast_in_dim3A : f32 to vector<128x128xf32>
    %broadcast_in_dim3A_6 = arith.constant 1.638400e+04 : f32
    %broadcast_in_dim3A_7 = vector.broadcast %broadcast_in_dim3A_6 : f32 to vector<128x128xf32>
    %swap3A = arith.constant 0 : index
    %swap3A_8 = arith.constant 0 : index
    %swap3A_9 = arith.constant 0 : index
    %swap3A_10 = vector.load %arg7[%swap3A, %swap3A_8, %swap3A_9] : memref<16x128x128xf32, #tpu.memory_space<vmem>>, vector<1x128x128xf32>
    %swap3A_11 = vector.shape_cast %swap3A_10 : vector<1x128x128xf32> to vector<128x128xf32>
    %swap3A_12 = vector.shape_cast %broadcast_in_dim3A_5 : vector<128x128xf32> to vector<1x128x128xf32>
    tpu.vector_store %arg7[%swap3A, %swap3A_8, %swap3A_9], %swap3A_12 {strides = array<i32>} : memref<16x128x128xf32, #tpu.memory_space<vmem>>, vector<1x128x128xf32>,
    %swap3A_13 = arith.constant 0 : index
    %swap3A_14 = arith.constant 0 : index
    %swap3A_15 = arith.constant 0 : index
    %swap3A_16 = vector.load %arg8[%swap3A_13, %swap3A_14, %swap3A_15] : memref<16x128x128xf32, #tpu.memory_space<vmem>>, vector<1x128x128xf32>
    %swap3A_17 = vector.shape_cast %swap3A_16 : vector<1x128x128xf32> to vector<128x128xf32>
    %swap3A_18 = vector.shape_cast %broadcast_in_dim3A_7 : vector<128x128xf32> to vector<1x128x128xf32>
    tpu.vector_store %arg8[%swap3A_13, %swap3A_14, %swap3A_15], %swap3A_18 {strides = array<i32>} : memref<16x128x128xf32, #tpu.memory_space<vmem>>, vector<1x128x128xf32>,
    %swap3A_19 = arith.constant 1 : index
    %swap3A_20 = arith.constant 0 : index
    %swap3A_21 = arith.constant 0 : index
    %swap3A_22 = vector.load %arg7[%swap3A_19, %swap3A_20, %swap3A_21] : memref<16x128x128xf32, #tpu.memory_space<vmem>>, vector<1x128x128xf32>
    %swap3A_23 = vector.shape_cast %swap3A_22 : vector<1x128x128xf32> to vector<128x128xf32>
    %swap3A_24 = vector.shape_cast %broadcast_in_dim3A_5 : vector<128x128xf32> to vector<1x128x128xf32>
    tpu.vector_store %arg7[%swap3A_19, %swap3A_20, %swap3A_21], %swap3A_24 {strides = array<i32>} : memref<16x128x128xf32, #tpu.memory_space<vmem>>, vector<1x128x128xf32>,
    %swap3A_25 = arith.constant 1 : index
    %swap3A_26 = arith.constant 0 : index
    %swap3A_27 = arith.constant 0 : index
    %swap3A_28 = vector.load %arg8[%swap3A_25, %swap3A_26, %swap3A_27] : memref<16x128x128xf32, #tpu.memory_space<vmem>>, vector<1x128x128xf32>
    %swap3A_29 = vector.shape_cast %swap3A_28 : vector<1x128x128xf32> to vector<128x128xf32>
    %swap3A_30 = vector.shape_cast %broadcast_in_dim3A_7 : vector<128x128xf32> to vector<1x128x128xf32>
    tpu.vector_store %arg8[%swap3A_25, %swap3A_26, %swap3A_27], %swap3A_30 {strides = array<i32>} : memref<16x128x128xf32, #tpu.memory_space<vmem>>, vector<1x128x128xf32>,
    %swap3A_31 = arith.constant 2 : index
    %swap3A_32 = arith.constant 0 : index
    %swap3A_33 = arith.constant 0 : index
    %swap3A_34 = vector.load %arg7[%swap3A_31, %swap3A_32, %swap3A_33] : memref<16x128x128xf32, #tpu.memory_space<vmem>>, vector<1x128x128xf32>
    %swap3A_35 = vector.shape_cast %swap3A_34 : vector<1x128x128xf32> to vector<128x128xf32>
    %swap3A_36 = vector.shape_cast %broadcast_in_dim3A_5 : vector<128x128xf32> to vector<1x128x128xf32>
    tpu.vector_store %arg7[%swap3A_31, %swap3A_32, %swap3A_33], %swap3A_36 {strides = array<i32>} : memref<16x128x128xf32, #tpu.memory_space<vmem>>, vector<1x128x128xf32>,
    %swap3A_37 = arith.constant 2 : index
    %swap3A_38 = arith.constant 0 : index
    %swap3A_39 = arith.constant 0 : index
    %swap3A_40 = vector.load %arg8[%swap3A_37, %swap3A_38, %swap3A_39] : memref<16x128x128xf32, #tpu.memory_space<vmem>>, vector<1x128x128xf32>
    %swap3A_41 = vector.shape_cast %swap3A_40 : vector<1x128x128xf32> to vector<128x128xf32>
    %swap3A_42 = vector.shape_cast %broadcast_in_dim3A_7 : vector<128x128xf32> to vector<1x128x128xf32>
    tpu.vector_store %arg8[%swap3A_37, %swap3A_38, %swap3A_39], %swap3A_42 {strides = array<i32>} : memref<16x128x128xf32, #tpu.memory_space<vmem>>, vector<1x128x128xf32>,
    %swap3A_43 = arith.constant 3 : index
    %swap3A_44 = arith.constant 0 : index
    %swap3A_45 = arith.constant 0 : index
    %swap3A_46 = vector.load %arg7[%swap3A_43, %swap3A_44, %swap3A_45] : memref<16x128x128xf32, #tpu.memory_space<vmem>>, vector<1x128x128xf32>
    %swap3A_47 = vector.shape_cast %swap3A_46 : vector<1x128x128xf32> to vector<128x128xf32>
    %swap3A_48 = vector.shape_cast %broadcast_in_dim3A_5 : vector<128x128xf32> to vector<1x128x128xf32>
    tpu.vector_store %arg7[%swap3A_43, %swap3A_44, %swap3A_45], %swap3A_48 {strides = array<i32>} : memref<16x128x128xf32, #tpu.memory_space<vmem>>, vector<1x128x128xf32>,
    %swap3A_49 = arith.constant 3 : index
    %swap3A_50 = arith.constant 0 : index
    %swap3A_51 = arith.constant 0 : index
    %swap3A_52 = vector.load %arg8[%swap3A_49, %swap3A_50, %swap3A_51] : memref<16x128x128xf32, #tpu.memory_space<vmem>>, vector<1x128x128xf32>
    %swap3A_53 = vector.shape_cast %swap3A_52 : vector<1x128x128xf32> to vector<128x128xf32>
    %swap3A_54 = vector.shape_cast %broadcast_in_dim3A_7 : vector<128x128xf32> to vector<1x128x128xf32>
    tpu.vector_store %arg8[%swap3A_49, %swap3A_50, %swap3A_51], %swap3A_54 {strides = array<i32>} : memref<16x128x128xf32, #tpu.memory_space<vmem>>, vector<1x128x128xf32>,
    %swap3A_55 = arith.constant 4 : index
    %swap3A_56 = arith.constant 0 : index
    %swap3A_57 = arith.constant 0 : index
    %swap3A_58 = vector.load %arg7[%swap3A_55, %swap3A_56, %swap3A_57] : memref<16x128x128xf32, #tpu.memory_space<vmem>>, vector<1x128x128xf32>
    %swap3A_59 = vector.shape_cast %swap3A_58 : vector<1x128x128xf32> to vector<128x128xf32>
    %swap3A_60 = vector.shape_cast %broadcast_in_dim3A_5 : vector<128x128xf32> to vector<1x128x128xf32>
    tpu.vector_store %arg7[%swap3A_55, %swap3A_56, %swap3A_57], %swap3A_60 {strides = array<i32>} : memref<16x128x128xf32, #tpu.memory_space<vmem>>, vector<1x128x128xf32>,
    %swap3A_61 = arith.constant 4 : index
    %swap3A_62 = arith.constant 0 : index
    %swap3A_63 = arith.constant 0 : index
    %swap3A_64 = vector.load %arg8[%swap3A_61, %swap3A_62, %swap3A_63] : memref<16x128x128xf32, #tpu.memory_space<vmem>>, vector<1x128x128xf32>
    %swap3A_65 = vector.shape_cast %swap3A_64 : vector<1x128x128xf32> to vector<128x128xf32>
    %swap3A_66 = vector.shape_cast %broadcast_in_dim3A_7 : vector<128x128xf32> to vector<1x128x128xf32>
    tpu.vector_store %arg8[%swap3A_61, %swap3A_62, %swap3A_63], %swap3A_66 {strides = array<i32>} : memref<16x128x128xf32, #tpu.memory_space<vmem>>, vector<1x128x128xf32>,
    %swap3A_67 = arith.constant 5 : index
    %swap3A_68 = arith.constant 0 : index
    %swap3A_69 = arith.constant 0 : index
    %swap3A_70 = vector.load %arg7[%swap3A_67, %swap3A_68, %swap3A_69] : memref<16x128x128xf32, #tpu.memory_space<vmem>>, vector<1x128x128xf32>
    %swap3A_71 = vector.shape_cast %swap3A_70 : vector<1x128x128xf32> to vector<128x128xf32>
    %swap3A_72 = vector.shape_cast %broadcast_in_dim3A_5 : vector<128x128xf32> to vector<1x128x128xf32>
    tpu.vector_store %arg7[%swap3A_67, %swap3A_68, %swap3A_69], %swap3A_72 {strides = array<i32>} : memref<16x128x128xf32, #tpu.memory_space<vmem>>, vector<1x128x128xf32>,
    %swap3A_73 = arith.constant 5 : index
    %swap3A_74 = arith.constant 0 : index
    %swap3A_75 = arith.constant 0 : index
    %swap3A_76 = vector.load %arg8[%swap3A_73, %swap3A_74, %swap3A_75] : memref<16x128x128xf32, #tpu.memory_space<vmem>>, vector<1x128x128xf32>
    %swap3A_77 = vector.shape_cast %swap3A_76 : vector<1x128x128xf32> to vector<128x128xf32>
    %swap3A_78 = vector.shape_cast %broadcast_in_dim3A_7 : vector<128x128xf32> to vector<1x128x128xf32>
    tpu.vector_store %arg8[%swap3A_73, %swap3A_74, %swap3A_75], %swap3A_78 {strides = array<i32>} : memref<16x128x128xf32, #tpu.memory_space<vmem>>, vector<1x128x128xf32>,
    %swap3A_79 = arith.constant 6 : index
    %swap3A_80 = arith.constant 0 : index
    %swap3A_81 = arith.constant 0 : index
    %swap3A_82 = vector.load %arg7[%swap3A_79, %swap3A_80, %swap3A_81] : memref<16x128x128xf32, #tpu.memory_space<vmem>>, vector<1x128x128xf32>
    %swap3A_83 = vector.shape_cast %swap3A_82 : vector<1x128x128xf32> to vector<128x128xf32>
    %swap3A_84 = vector.shape_cast %broadcast_in_dim3A_5 : vector<128x128xf32> to vector<1x128x128xf32>
    tpu.vector_store %arg7[%swap3A_79, %swap3A_80, %swap3A_81], %swap3A_84 {strides = array<i32>} : memref<16x128x128xf32, #tpu.memory_space<vmem>>, vector<1x128x128xf32>,
    %swap3A_85 = arith.constant 6 : index
    %swap3A_86 = arith.constant 0 : index
    %swap3A_87 = arith.constant 0 : index
    %swap3A_88 = vector.load %arg8[%swap3A_85, %swap3A_86, %swap3A_87] : memref<16x128x128xf32, #tpu.memory_space<vmem>>, vector<1x128x128xf32>
    %swap3A_89 = vector.shape_cast %swap3A_88 : vector<1x128x128xf32> to vector<128x128xf32>
    %swap3A_90 = vector.shape_cast %broadcast_in_dim3A_7 : vector<128x128xf32> to vector<1x128x128xf32>
    tpu.vector_store %arg8[%swap3A_85, %swap3A_86, %swap3A_87], %swap3A_90 {strides = array<i32>} : memref<16x128x128xf32, #tpu.memory_space<vmem>>, vector<1x128x128xf32>,
    %swap3A_91 = arith.constant 7 : index
    %swap3A_92 = arith.constant 0 : index
    %swap3A_93 = arith.constant 0 : index
    %swap3A_94 = vector.load %arg7[%swap3A_91, %swap3A_92, %swap3A_93] : memref<16x128x128xf32, #tpu.memory_space<vmem>>, vector<1x128x128xf32>
    %swap3A_95 = vector.shape_cast %swap3A_94 : vector<1x128x128xf32> to vector<128x128xf32>
    %swap3A_96 = vector.shape_cast %broadcast_in_dim3A_5 : vector<128x128xf32> to vector<1x128x128xf32>
    tpu.vector_store %arg7[%swap3A_91, %swap3A_92, %swap3A_93], %swap3A_96 {strides = array<i32>} : memref<16x128x128xf32, #tpu.memory_space<vmem>>, vector<1x128x128xf32>,
    %swap3A_97 = arith.constant 7 : index
    %swap3A_98 = arith.constant 0 : index
    %swap3A_99 = arith.constant 0 : index
    %swap3A_100 = vector.load %arg8[%swap3A_97, %swap3A_98, %swap3A_99] : memref<16x128x128xf32, #tpu.memory_space<vmem>>, vector<1x128x128xf32>
    %swap3A_101 = vector.shape_cast %swap3A_100 : vector<1x128x128xf32> to vector<128x128xf32>
    %swap3A_102 = vector.shape_cast %broadcast_in_dim3A_7 : vector<128x128xf32> to vector<1x128x128xf32>
    tpu.vector_store %arg8[%swap3A_97, %swap3A_98, %swap3A_99], %swap3A_102 {strides = array<i32>} : memref<16x128x128xf32, #tpu.memory_space<vmem>>, vector<1x128x128xf32>,
    %swap3A_103 = arith.constant 8 : index
    %swap3A_104 = arith.constant 0 : index
    %swap3A_105 = arith.constant 0 : index
    %swap3A_106 = vector.load %arg7[%swap3A_103, %swap3A_104, %swap3A_105] : memref<16x128x128xf32, #tpu.memory_space<vmem>>, vector<1x128x128xf32>
    %swap3A_107 = vector.shape_cast %swap3A_106 : vector<1x128x128xf32> to vector<128x128xf32>
    %swap3A_108 = vector.shape_cast %broadcast_in_dim3A_5 : vector<128x128xf32> to vector<1x128x128xf32>
    tpu.vector_store %arg7[%swap3A_103, %swap3A_104, %swap3A_105], %swap3A_108 {strides = array<i32>} : memref<16x128x128xf32, #tpu.memory_space<vmem>>, vector<1x128x128xf32>,
    %swap3A_109 = arith.constant 8 : index
    %swap3A_110 = arith.constant 0 : index
    %swap3A_111 = arith.constant 0 : index
    %swap3A_112 = vector.load %arg8[%swap3A_109, %swap3A_110, %swap3A_111] : memref<16x128x128xf32, #tpu.memory_space<vmem>>, vector<1x128x128xf32>
    %swap3A_113 = vector.shape_cast %swap3A_112 : vector<1x128x128xf32> to vector<128x128xf32>
    %swap3A_114 = vector.shape_cast %broadcast_in_dim3A_7 : vector<128x128xf32> to vector<1x128x128xf32>
    tpu.vector_store %arg8[%swap3A_109, %swap3A_110, %swap3A_111], %swap3A_114 {strides = array<i32>} : memref<16x128x128xf32, #tpu.memory_space<vmem>>, vector<1x128x128xf32>,
    %swap3A_115 = arith.constant 9 : index
    %swap3A_116 = arith.constant 0 : index
    %swap3A_117 = arith.constant 0 : index
    %swap3A_118 = vector.load %arg7[%swap3A_115, %swap3A_116, %swap3A_117] : memref<16x128x128xf32, #tpu.memory_space<vmem>>, vector<1x128x128xf32>
    %swap3A_119 = vector.shape_cast %swap3A_118 : vector<1x128x128xf32> to vector<128x128xf32>
    %swap3A_120 = vector.shape_cast %broadcast_in_dim3A_5 : vector<128x128xf32> to vector<1x128x128xf32>
    tpu.vector_store %arg7[%swap3A_115, %swap3A_116, %swap3A_117], %swap3A_120 {strides = array<i32>} : memref<16x128x128xf32, #tpu.memory_space<vmem>>, vector<1x128x128xf32>,
    %swap3A_121 = arith.constant 9 : index
    %swap3A_122 = arith.constant 0 : index
    %swap3A_123 = arith.constant 0 : index
    %swap3A_124 = vector.load %arg8[%swap3A_121, %swap3A_122, %swap3A_123] : memref<16x128x128xf32, #tpu.memory_space<vmem>>, vector<1x128x128xf32>
    %swap3A_125 = vector.shape_cast %swap3A_124 : vector<1x128x128xf32> to vector<128x128xf32>
    %swap3A_126 = vector.shape_cast %broadcast_in_dim3A_7 : vector<128x128xf32> to vector<1x128x128xf32>
    tpu.vector_store %arg8[%swap3A_121, %swap3A_122, %swap3A_123], %swap3A_126 {strides = array<i32>} : memref<16x128x128xf32, #tpu.memory_space<vmem>>, vector<1x128x128xf32>,
    %swap3A_127 = arith.constant 10 : index
    %swap3A_128 = arith.constant 0 : index
    %swap3A_129 = arith.constant 0 : index
    %swap3A_130 = vector.load %arg7[%swap3A_127, %swap3A_128, %swap3A_129] : memref<16x128x128xf32, #tpu.memory_space<vmem>>, vector<1x128x128xf32>
    %swap3A_131 = vector.shape_cast %swap3A_130 : vector<1x128x128xf32> to vector<128x128xf32>
    %swap3A_132 = vector.shape_cast %broadcast_in_dim3A_5 : vector<128x128xf32> to vector<1x128x128xf32>
    tpu.vector_store %arg7[%swap3A_127, %swap3A_128, %swap3A_129], %swap3A_132 {strides = array<i32>} : memref<16x128x128xf32, #tpu.memory_space<vmem>>, vector<1x128x128xf32>,
    %swap3A_133 = arith.constant 10 : index
    %swap3A_134 = arith.constant 0 : index
    %swap3A_135 = arith.constant 0 : index
    %swap3A_136 = vector.load %arg8[%swap3A_133, %swap3A_134, %swap3A_135] : memref<16x128x128xf32, #tpu.memory_space<vmem>>, vector<1x128x128xf32>
    %swap3A_137 = vector.shape_cast %swap3A_136 : vector<1x128x128xf32> to vector<128x128xf32>
    %swap3A_138 = vector.shape_cast %broadcast_in_dim3A_7 : vector<128x128xf32> to vector<1x128x128xf32>
    tpu.vector_store %arg8[%swap3A_133, %swap3A_134, %swap3A_135], %swap3A_138 {strides = array<i32>} : memref<16x128x128xf32, #tpu.memory_space<vmem>>, vector<1x128x128xf32>,
    %swap3A_139 = arith.constant 11 : index
    %swap3A_140 = arith.constant 0 : index
    %swap3A_141 = arith.constant 0 : index
    %swap3A_142 = vector.load %arg7[%swap3A_139, %swap3A_140, %swap3A_141] : memref<16x128x128xf32, #tpu.memory_space<vmem>>, vector<1x128x128xf32>
    %swap3A_143 = vector.shape_cast %swap3A_142 : vector<1x128x128xf32> to vector<128x128xf32>
    %swap3A_144 = vector.shape_cast %broadcast_in_dim3A_5 : vector<128x128xf32> to vector<1x128x128xf32>
    tpu.vector_store %arg7[%swap3A_139, %swap3A_140, %swap3A_141], %swap3A_144 {strides = array<i32>} : memref<16x128x128xf32, #tpu.memory_space<vmem>>, vector<1x128x128xf32>,
    %swap3A_145 = arith.constant 11 : index
    %swap3A_146 = arith.constant 0 : index
    %swap3A_147 = arith.constant 0 : index
    %swap3A_148 = vector.load %arg8[%swap3A_145, %swap3A_146, %swap3A_147] : memref<16x128x128xf32, #tpu.memory_space<vmem>>, vector<1x128x128xf32>
    %swap3A_149 = vector.shape_cast %swap3A_148 : vector<1x128x128xf32> to vector<128x128xf32>
    %swap3A_150 = vector.shape_cast %broadcast_in_dim3A_7 : vector<128x128xf32> to vector<1x128x128xf32>
    tpu.vector_store %arg8[%swap3A_145, %swap3A_146, %swap3A_147], %swap3A_150 {strides = array<i32>} : memref<16x128x128xf32, #tpu.memory_space<vmem>>, vector<1x128x128xf32>,
    %swap3A_151 = arith.constant 12 : index
    %swap3A_152 = arith.constant 0 : index
    %swap3A_153 = arith.constant 0 : index
    %swap3A_154 = vector.load %arg7[%swap3A_151, %swap3A_152, %swap3A_153] : memref<16x128x128xf32, #tpu.memory_space<vmem>>, vector<1x128x128xf32>
    %swap3A_155 = vector.shape_cast %swap3A_154 : vector<1x128x128xf32> to vector<128x128xf32>
    %swap3A_156 = vector.shape_cast %broadcast_in_dim3A_5 : vector<128x128xf32> to vector<1x128x128xf32>
    tpu.vector_store %arg7[%swap3A_151, %swap3A_152, %swap3A_153], %swap3A_156 {strides = array<i32>} : memref<16x128x128xf32, #tpu.memory_space<vmem>>, vector<1x128x128xf32>,
    %swap3A_157 = arith.constant 12 : index
    %swap3A_158 = arith.constant 0 : index
    %swap3A_159 = arith.constant 0 : index
    %swap3A_160 = vector.load %arg8[%swap3A_157, %swap3A_158, %swap3A_159] : memref<16x128x128xf32, #tpu.memory_space<vmem>>, vector<1x128x128xf32>
    %swap3A_161 = vector.shape_cast %swap3A_160 : vector<1x128x128xf32> to vector<128x128xf32>
    %swap3A_162 = vector.shape_cast %broadcast_in_dim3A_7 : vector<128x128xf32> to vector<1x128x128xf32>
    tpu.vector_store %arg8[%swap3A_157, %swap3A_158, %swap3A_159], %swap3A_162 {strides = array<i32>} : memref<16x128x128xf32, #tpu.memory_space<vmem>>, vector<1x128x128xf32>,
    %swap3A_163 = arith.constant 13 : index
    %swap3A_164 = arith.constant 0 : index
    %swap3A_165 = arith.constant 0 : index
    %swap3A_166 = vector.load %arg7[%swap3A_163, %swap3A_164, %swap3A_165] : memref<16x128x128xf32, #tpu.memory_space<vmem>>, vector<1x128x128xf32>
    %swap3A_167 = vector.shape_cast %swap3A_166 : vector<1x128x128xf32> to vector<128x128xf32>
    %swap3A_168 = vector.shape_cast %broadcast_in_dim3A_5 : vector<128x128xf32> to vector<1x128x128xf32>
    tpu.vector_store %arg7[%swap3A_163, %swap3A_164, %swap3A_165], %swap3A_168 {strides = array<i32>} : memref<16x128x128xf32, #tpu.memory_space<vmem>>, vector<1x128x128xf32>,
    %swap3A_169 = arith.constant 13 : index
    %swap3A_170 = arith.constant 0 : index
    %swap3A_171 = arith.constant 0 : index
    %swap3A_172 = vector.load %arg8[%swap3A_169, %swap3A_170, %swap3A_171] : memref<16x128x128xf32, #tpu.memory_space<vmem>>, vector<1x128x128xf32>
    %swap3A_173 = vector.shape_cast %swap3A_172 : vector<1x128x128xf32> to vector<128x128xf32>
    %swap3A_174 = vector.shape_cast %broadcast_in_dim3A_7 : vector<128x128xf32> to vector<1x128x128xf32>
    tpu.vector_store %arg8[%swap3A_169, %swap3A_170, %swap3A_171], %swap3A_174 {strides = array<i32>} : memref<16x128x128xf32, #tpu.memory_space<vmem>>, vector<1x128x128xf32>,
    %swap3A_175 = arith.constant 14 : index
    %swap3A_176 = arith.constant 0 : index
    %swap3A_177 = arith.constant 0 : index
    %swap3A_178 = vector.load %arg7[%swap3A_175, %swap3A_176, %swap3A_177] : memref<16x128x128xf32, #tpu.memory_space<vmem>>, vector<1x128x128xf32>
    %swap3A_179 = vector.shape_cast %swap3A_178 : vector<1x128x128xf32> to vector<128x128xf32>
    %swap3A_180 = vector.shape_cast %broadcast_in_dim3A_5 : vector<128x128xf32> to vector<1x128x128xf32>
    tpu.vector_store %arg7[%swap3A_175, %swap3A_176, %swap3A_177], %swap3A_180 {strides = array<i32>} : memref<16x128x128xf32, #tpu.memory_space<vmem>>, vector<1x128x128xf32>,
    %swap3A_181 = arith.constant 14 : index
    %swap3A_182 = arith.constant 0 : index
    %swap3A_183 = arith.constant 0 : index
    %swap3A_184 = vector.load %arg8[%swap3A_181, %swap3A_182, %swap3A_183] : memref<16x128x128xf32, #tpu.memory_space<vmem>>, vector<1x128x128xf32>
    %swap3A_185 = vector.shape_cast %swap3A_184 : vector<1x128x128xf32> to vector<128x128xf32>
    %swap3A_186 = vector.shape_cast %broadcast_in_dim3A_7 : vector<128x128xf32> to vector<1x128x128xf32>
    tpu.vector_store %arg8[%swap3A_181, %swap3A_182, %swap3A_183], %swap3A_186 {strides = array<i32>} : memref<16x128x128xf32, #tpu.memory_space<vmem>>, vector<1x128x128xf32>,
    %swap3A_187 = arith.constant 15 : index
    %swap3A_188 = arith.constant 0 : index
    %swap3A_189 = arith.constant 0 : index
    %swap3A_190 = vector.load %arg7[%swap3A_187, %swap3A_188, %swap3A_189] : memref<16x128x128xf32, #tpu.memory_space<vmem>>, vector<1x128x128xf32>
    %swap3A_191 = vector.shape_cast %swap3A_190 : vector<1x128x128xf32> to vector<128x128xf32>
    %swap3A_192 = vector.shape_cast %broadcast_in_dim3A_5 : vector<128x128xf32> to vector<1x128x128xf32>
    tpu.vector_store %arg7[%swap3A_187, %swap3A_188, %swap3A_189], %swap3A_192 {strides = array<i32>} : memref<16x128x128xf32, #tpu.memory_space<vmem>>, vector<1x128x128xf32>,
    %swap3A_193 = arith.constant 15 : index
    %swap3A_194 = arith.constant 0 : index
    %swap3A_195 = arith.constant 0 : index
    %swap3A_196 = vector.load %arg8[%swap3A_193, %swap3A_194, %swap3A_195] : memref<16x128x128xf32, #tpu.memory_space<vmem>>, vector<1x128x128xf32>
    %swap3A_197 = vector.shape_cast %swap3A_196 : vector<1x128x128xf32> to vector<128x128xf32>
    %swap3A_198 = vector.shape_cast %broadcast_in_dim3A_7 : vector<128x128xf32> to vector<1x128x128xf32>
    tpu.vector_store %arg8[%swap3A_193, %swap3A_194, %swap3A_195], %swap3A_198 {strides = array<i32>} : memref<16x128x128xf32, #tpu.memory_space<vmem>>, vector<1x128x128xf32>,
    %broadcast_in_dim3A_199 = arith.constant 0xFF800000 : f32
    %broadcast_in_dim3A_200 = vector.broadcast %broadcast_in_dim3A_199 : f32 to vector<128x128xf32>
    %broadcast_in_dim3A_201 = arith.constant -1.000000e+00 : f32
    %broadcast_in_dim3A_202 = vector.broadcast %broadcast_in_dim3A_201 : f32 to vector<128x128xf32>
    %while3A = arith.constant 0 : i32
    %while3A_203 = arith.constant false
    %while3A_204:4 = scf.while (%while3A_221 = %while3A, %while3A_222 = %broadcast_in_dim3A_200, %while3A_223 = %broadcast_in_dim3A_202, %while3A_224 = %while3A_203) : (i32, vector<128x128xf32>, vector<128x128xf32>, i1) -> (i32, vector<128x128xf32>, vector<128x128xf32>, i1) {
      %lt3A = arith.constant 16 : i32
      %lt3A_225 = arith.cmpi slt, %while3A_221, %lt3A : i32
      %not3A = arith.constant true
      %not3A_226 = arith.xori %while3A_224, %not3A : i1
      %and3A = arith.andi %lt3A_225, %not3A_226 : i1
      scf.condition(%and3A) %while3A_221, %while3A_222, %while3A_223, %while3A_224 : i32, vector<128x128xf32>, vector<128x128xf32>, i1
    } do {
    ^bb0(%while3A_221: i32, %while3A_222: vector<128x128xf32>, %while3A_223: vector<128x128xf32>, %while3A_224: i1):
      %scan3A_225 = arith.constant 0 : i32
      %scan3A_226 = arith.constant 32 : i32
      %scan3A_227 = arith.addi %scan3A_225, %scan3A_226 : i32
      %scan3A_228 = arith.constant 1 : i32
      %scan3A_229:2 = scf.for %scan3A_272 = %scan3A_225 to %scan3A_227 step %scan3A_228 iter_args(%scan3A_273 = %broadcast_in_dim3A_5, %scan3A_274 = %broadcast_in_dim3A_7) -> (vector<128x128xf32>, vector<128x128xf32>)  : i32 {
        %get3A = arith.index_cast %scan3A_272 : i32 to index
        %get3A_275 = arith.constant 0 : index
        %get3A_276 = arith.constant 0 : index
        %get3A_277 = vector.load %arg6[%get3A, %get3A_275, %get3A_276] : memref<32x128x512xf32, #tpu.memory_space<vmem>>, vector<1x128x512xf32>
        %get3A_278 = vector.shape_cast %get3A_277 : vector<1x128x512xf32> to vector<128x512xf32>
        %slice3A = vector.extract_strided_slice %get3A_278 {offsets = [0, 0], sizes = [128, 128], strides = [1, 1]} : vector<128x512xf32> to vector<128x128xf32>
        %mul3A = arith.constant 512 : i32
        %mul3A_279 = arith.muli %scan3A_272, %mul3A : i32
        %add3A_280 = arith.constant 0 : i32
        %add3A_281 = arith.addi %mul3A_279, %add3A_280 : i32
        %convert_element_type3A_282 = arith.sitofp %add3A_281 : i32 to f32
        %add3A_283 = vector.broadcast %convert_element_type3A_282 : f32 to vector<128x128xf32>
        %add3A_284 = arith.addf %convert_element_type3A, %add3A_283 : vector<128x128xf32>
        %gt3A = arith.cmpf ogt, %slice3A, %while3A_222 : vector<128x128xf32>
        %eq3A_285 = arith.cmpf oeq, %slice3A, %while3A_222 : vector<128x128xf32>
        %gt3A_286 = arith.cmpf ogt, %add3A_284, %while3A_223 : vector<128x128xf32>
        %and3A = arith.andi %eq3A_285, %gt3A_286 : vector<128x128xi1>
        %or3A = arith.ori %gt3A, %and3A : vector<128x128xi1>
        %jit3A_287 = arith.constant 0x7F800000 : f32
        %broadcast_in_dim3A_288 = vector.broadcast %jit3A_287 : f32 to vector<128x128xf32>
        %select_n3A_289 = arith.select %or3A, %slice3A, %broadcast_in_dim3A_288 : vector<128x128xi1>, vector<128x128xf32>
        %lt3A = arith.cmpf olt, %select_n3A_289, %scan3A_273 : vector<128x128xf32>
        %eq3A_290 = arith.cmpf oeq, %select_n3A_289, %scan3A_273 : vector<128x128xf32>
        %lt3A_291 = arith.cmpf olt, %add3A_284, %scan3A_274 : vector<128x128xf32>
        %and3A_292 = arith.andi %eq3A_290, %lt3A_291 : vector<128x128xi1>
        %or3A_293 = arith.ori %lt3A, %and3A_292 : vector<128x128xi1>
        %select_n3A_294 = arith.select %or3A_293, %select_n3A_289, %scan3A_273 : vector<128x128xi1>, vector<128x128xf32>
        %select_n3A_295 = arith.select %or3A_293, %add3A_284, %scan3A_274 : vector<128x128xi1>, vector<128x128xf32>
        %slice3A_296 = vector.extract_strided_slice %get3A_278 {offsets = [0, 128], sizes = [128, 128], strides = [1, 1]} : vector<128x512xf32> to vector<128x128xf32>
        %mul3A_297 = arith.constant 512 : i32
        %mul3A_298 = arith.muli %scan3A_272, %mul3A_297 : i32
        %add3A_299 = arith.constant 128 : i32
        %add3A_300 = arith.addi %mul3A_298, %add3A_299 : i32
        %convert_element_type3A_301 = arith.sitofp %add3A_300 : i32 to f32
        %add3A_302 = vector.broadcast %convert_element_type3A_301 : f32 to vector<128x128xf32>
        %add3A_303 = arith.addf %convert_element_type3A, %add3A_302 : vector<128x128xf32>
        %gt3A_304 = arith.cmpf ogt, %slice3A_296, %while3A_222 : vector<128x128xf32>
        %eq3A_305 = arith.cmpf oeq, %slice3A_296, %while3A_222 : vector<128x128xf32>
        %gt3A_306 = arith.cmpf ogt, %add3A_303, %while3A_223 : vector<128x128xf32>
        %and3A_307 = arith.andi %eq3A_305, %gt3A_306 : vector<128x128xi1>
        %or3A_308 = arith.ori %gt3A_304, %and3A_307 : vector<128x128xi1>
        %jit3A_309 = arith.constant 0x7F800000 : f32
        %broadcast_in_dim3A_310 = vector.broadcast %jit3A_309 : f32 to vector<128x128xf32>
        %select_n3A_311 = arith.select %or3A_308, %slice3A_296, %broadcast_in_dim3A_310 : vector<128x128xi1>, vector<128x128xf32>
        %lt3A_312 = arith.cmpf olt, %select_n3A_311, %select_n3A_294 : vector<128x128xf32>
        %eq3A_313 = arith.cmpf oeq, %select_n3A_311, %select_n3A_294 : vector<128x128xf32>
        %lt3A_314 = arith.cmpf olt, %add3A_303, %select_n3A_295 : vector<128x128xf32>
        %and3A_315 = arith.andi %eq3A_313, %lt3A_314 : vector<128x128xi1>
        %or3A_316 = arith.ori %lt3A_312, %and3A_315 : vector<128x128xi1>
        %select_n3A_317 = arith.select %or3A_316, %select_n3A_311, %select_n3A_294 : vector<128x128xi1>, vector<128x128xf32>
        %select_n3A_318 = arith.select %or3A_316, %add3A_303, %select_n3A_295 : vector<128x128xi1>, vector<128x128xf32>
        %slice3A_319 = vector.extract_strided_slice %get3A_278 {offsets = [0, 256], sizes = [128, 128], strides = [1, 1]} : vector<128x512xf32> to vector<128x128xf32>
        %mul3A_320 = arith.constant 512 : i32
        %mul3A_321 = arith.muli %scan3A_272, %mul3A_320 : i32
        %add3A_322 = arith.constant 256 : i32
        %add3A_323 = arith.addi %mul3A_321, %add3A_322 : i32
        %convert_element_type3A_324 = arith.sitofp %add3A_323 : i32 to f32
        %add3A_325 = vector.broadcast %convert_element_type3A_324 : f32 to vector<128x128xf32>
        %add3A_326 = arith.addf %convert_element_type3A, %add3A_325 : vector<128x128xf32>
        %gt3A_327 = arith.cmpf ogt, %slice3A_319, %while3A_222 : vector<128x128xf32>
        %eq3A_328 = arith.cmpf oeq, %slice3A_319, %while3A_222 : vector<128x128xf32>
        %gt3A_329 = arith.cmpf ogt, %add3A_326, %while3A_223 : vector<128x128xf32>
        %and3A_330 = arith.andi %eq3A_328, %gt3A_329 : vector<128x128xi1>
        %or3A_331 = arith.ori %gt3A_327, %and3A_330 : vector<128x128xi1>
        %jit3A_332 = arith.constant 0x7F800000 : f32
        %broadcast_in_dim3A_333 = vector.broadcast %jit3A_332 : f32 to vector<128x128xf32>
        %select_n3A_334 = arith.select %or3A_331, %slice3A_319, %broadcast_in_dim3A_333 : vector<128x128xi1>, vector<128x128xf32>
        %lt3A_335 = arith.cmpf olt, %select_n3A_334, %select_n3A_317 : vector<128x128xf32>
        %eq3A_336 = arith.cmpf oeq, %select_n3A_334, %select_n3A_317 : vector<128x128xf32>
        %lt3A_337 = arith.cmpf olt, %add3A_326, %select_n3A_318 : vector<128x128xf32>
        %and3A_338 = arith.andi %eq3A_336, %lt3A_337 : vector<128x128xi1>
        %or3A_339 = arith.ori %lt3A_335, %and3A_338 : vector<128x128xi1>
        %select_n3A_340 = arith.select %or3A_339, %select_n3A_334, %select_n3A_317 : vector<128x128xi1>, vector<128x128xf32>
        %select_n3A_341 = arith.select %or3A_339, %add3A_326, %select_n3A_318 : vector<128x128xi1>, vector<128x128xf32>
        %slice3A_342 = vector.extract_strided_slice %get3A_278 {offsets = [0, 384], sizes = [128, 128], strides = [1, 1]} : vector<128x512xf32> to vector<128x128xf32>
        %mul3A_343 = arith.constant 512 : i32
        %mul3A_344 = arith.muli %scan3A_272, %mul3A_343 : i32
        %add3A_345 = arith.constant 384 : i32
        %add3A_346 = arith.addi %mul3A_344, %add3A_345 : i32
        %convert_element_type3A_347 = arith.sitofp %add3A_346 : i32 to f32
        %add3A_348 = vector.broadcast %convert_element_type3A_347 : f32 to vector<128x128xf32>
        %add3A_349 = arith.addf %convert_element_type3A, %add3A_348 : vector<128x128xf32>
        %gt3A_350 = arith.cmpf ogt, %slice3A_342, %while3A_222 : vector<128x128xf32>
        %eq3A_351 = arith.cmpf oeq, %slice3A_342, %while3A_222 : vector<128x128xf32>
        %gt3A_352 = arith.cmpf ogt, %add3A_349, %while3A_223 : vector<128x128xf32>
        %and3A_353 = arith.andi %eq3A_351, %gt3A_352 : vector<128x128xi1>
        %or3A_354 = arith.ori %gt3A_350, %and3A_353 : vector<128x128xi1>
        %jit3A_355 = arith.constant 0x7F800000 : f32
        %broadcast_in_dim3A_356 = vector.broadcast %jit3A_355 : f32 to vector<128x128xf32>
        %select_n3A_357 = arith.select %or3A_354, %slice3A_342, %broadcast_in_dim3A_356 : vector<128x128xi1>, vector<128x128xf32>
        %lt3A_358 = arith.cmpf olt, %select_n3A_357, %select_n3A_340 : vector<128x128xf32>
        %eq3A_359 = arith.cmpf oeq, %select_n3A_357, %select_n3A_340 : vector<128x128xf32>
        %lt3A_360 = arith.cmpf olt, %add3A_349, %select_n3A_341 : vector<128x128xf32>
        %and3A_361 = arith.andi %eq3A_359, %lt3A_360 : vector<128x128xi1>
        %or3A_362 = arith.ori %lt3A_358, %and3A_361 : vector<128x128xi1>
        %select_n3A_363 = arith.select %or3A_362, %select_n3A_357, %select_n3A_340 : vector<128x128xi1>, vector<128x128xf32>
        %select_n3A_364 = arith.select %or3A_362, %add3A_349, %select_n3A_341 : vector<128x128xi1>, vector<128x128xf32>
        scf.yield %select_n3A_363, %select_n3A_364 : vector<128x128xf32>, vector<128x128xf32>
      }
      %scan3A_230 = arith.constant 32 : i32
      %swap3A_231 = arith.index_cast %while3A_221 : i32 to index
      %swap3A_232 = arith.constant 0 : index
      %swap3A_233 = arith.constant 0 : index
      %swap3A_234 = vector.load %arg7[%swap3A_231, %swap3A_232, %swap3A_233] : memref<16x128x128xf32, #tpu.memory_space<vmem>>, vector<1x128x128xf32>
      %swap3A_235 = vector.shape_cast %swap3A_234 : vector<1x128x128xf32> to vector<128x128xf32>
      %swap3A_236 = vector.shape_cast %scan3A_229#0 : vector<128x128xf32> to vector<1x128x128xf32>
      tpu.vector_store %arg7[%swap3A_231, %swap3A_232, %swap3A_233], %swap3A_236 {strides = array<i32>} : memref<16x128x128xf32, #tpu.memory_space<vmem>>, vector<1x128x128xf32>,
      %swap3A_237 = arith.index_cast %while3A_221 : i32 to index
      %swap3A_238 = arith.constant 0 : index
      %swap3A_239 = arith.constant 0 : index
      %swap3A_240 = vector.load %arg8[%swap3A_237, %swap3A_238, %swap3A_239] : memref<16x128x128xf32, #tpu.memory_space<vmem>>, vector<1x128x128xf32>
      %swap3A_241 = vector.shape_cast %swap3A_240 : vector<1x128x128xf32> to vector<128x128xf32>
      %swap3A_242 = vector.shape_cast %scan3A_229#1 : vector<128x128xf32> to vector<1x128x128xf32>
      tpu.vector_store %arg8[%swap3A_237, %swap3A_238, %swap3A_239], %swap3A_242 {strides = array<i32>} : memref<16x128x128xf32, #tpu.memory_space<vmem>>, vector<1x128x128xf32>,
      %reduce_min3A = arith.constant dense<0x7F800000> : vector<128xf32>
      %reduce_min3A_243 = vector.multi_reduction <minimumf>, %scan3A_229#0, %reduce_min3A [1] : vector<128x128xf32> to vector<128xf32>
      %broadcast_in_dim3A_244 = vector.shape_cast %reduce_min3A_243 : vector<128xf32> to vector<128x1xf32>
      %eq3A = vector.broadcast %broadcast_in_dim3A_244 : vector<128x1xf32> to vector<128x128xf32>
      %eq3A_245 = arith.cmpf oeq, %scan3A_229#0, %eq3A : vector<128x128xf32>
      %jit3A = arith.constant 1.638400e+04 : f32
      %broadcast_in_dim3A_246 = vector.broadcast %jit3A : f32 to vector<128x128xf32>
      %select_n3A = arith.select %eq3A_245, %scan3A_229#1, %broadcast_in_dim3A_246 : vector<128x128xi1>, vector<128x128xf32>
      %reduce_min3A_247 = arith.constant dense<0x7F800000> : vector<128xf32>
      %reduce_min3A_248 = vector.multi_reduction <minimumf>, %select_n3A, %reduce_min3A_247 [1] : vector<128x128xf32> to vector<128xf32>
      %broadcast_in_dim3A_249 = vector.shape_cast %reduce_min3A_248 : vector<128xf32> to vector<128x1xf32>
      %add3A = arith.constant 1 : i32
      %add3A_250 = arith.addi %while3A_221, %add3A : i32
      %broadcast_in_dim3A_251 = arith.constant 0 : i32
      %broadcast_in_dim3A_252 = vector.broadcast %broadcast_in_dim3A_251 : i32 to vector<128x1xi32>
      %while3A_253 = arith.constant 0 : i32
      %while3A_254 = arith.subi %add3A_250, %while3A_253 : i32
      %while3A_255 = arith.addi %while3A_253, %while3A_254 : i32
      %while3A_256 = arith.constant 1 : i32
      %while3A_257 = arith.divsi %while3A_254, %while3A_256 : i32
      %while3A_258 = arith.muli %while3A_257, %while3A_256 : i32
      %while3A_259 = arith.addi %while3A_253, %while3A_258 : i32
      %while3A_260 = arith.constant 1 : i32
      %while3A_261 = scf.for %while3A_272 = %while3A_253 to %while3A_259 step %while3A_260 iter_args(%while3A_273 = %broadcast_in_dim3A_252) -> (vector<128x1xi32>)  : i32 {
        %get3A = arith.index_cast %while3A_272 : i32 to index
        %get3A_274 = arith.constant 0 : index
        %get3A_275 = arith.constant 0 : index
        %get3A_276 = vector.load %arg7[%get3A, %get3A_274, %get3A_275] : memref<16x128x128xf32, #tpu.memory_space<vmem>>, vector<1x128x128xf32>
        %get3A_277 = vector.shape_cast %get3A_276 : vector<1x128x128xf32> to vector<128x128xf32>
        %get3A_278 = arith.index_cast %while3A_272 : i32 to index
        %get3A_279 = arith.constant 0 : index
        %get3A_280 = arith.constant 0 : index
        %get3A_281 = vector.load %arg8[%get3A_278, %get3A_279, %get3A_280] : memref<16x128x128xf32, #tpu.memory_space<vmem>>, vector<1x128x128xf32>
        %get3A_282 = vector.shape_cast %get3A_281 : vector<1x128x128xf32> to vector<128x128xf32>
        %lt3A = vector.broadcast %broadcast_in_dim3A_244 : vector<128x1xf32> to vector<128x128xf32>
        %lt3A_283 = arith.cmpf olt, %get3A_277, %lt3A : vector<128x128xf32>
        %eq3A_284 = vector.broadcast %broadcast_in_dim3A_244 : vector<128x1xf32> to vector<128x128xf32>
        %eq3A_285 = arith.cmpf oeq, %get3A_277, %eq3A_284 : vector<128x128xf32>
        %le3A = vector.broadcast %broadcast_in_dim3A_249 : vector<128x1xf32> to vector<128x128xf32>
        %le3A_286 = arith.cmpf ole, %get3A_282, %le3A : vector<128x128xf32>
        %and3A = arith.andi %eq3A_285, %le3A_286 : vector<128x128xi1>
        %or3A = arith.ori %lt3A_283, %and3A : vector<128x128xi1>
        %convert_element_type3A_287 = arith.extui %or3A : vector<128x128xi1> to vector<128x128xi32>
        %reduce_sum3A = arith.constant dense<0> : vector<128xi32>
        %reduce_sum3A_288 = vector.multi_reduction <add>, %convert_element_type3A_287, %reduce_sum3A [1] : vector<128x128xi32> to vector<128xi32>
        %broadcast_in_dim3A_289 = vector.shape_cast %reduce_sum3A_288 : vector<128xi32> to vector<128x1xi32>
        %add3A_290 = arith.addi %while3A_273, %broadcast_in_dim3A_289 : vector<128x1xi32>
        scf.yield %add3A_290 : vector<128x1xi32>
      }
      %while3A_262 = arith.constant 1 : i32
      %while3A_263 = scf.for %while3A_272 = %while3A_259 to %while3A_255 step %while3A_262 iter_args(%while3A_273 = %while3A_261) -> (vector<128x1xi32>)  : i32 {
        %get3A = arith.index_cast %while3A_272 : i32 to index
        %get3A_274 = arith.constant 0 : index
        %get3A_275 = arith.constant 0 : index
        %get3A_276 = vector.load %arg7[%get3A, %get3A_274, %get3A_275] : memref<16x128x128xf32, #tpu.memory_space<vmem>>, vector<1x128x128xf32>
        %get3A_277 = vector.shape_cast %get3A_276 : vector<1x128x128xf32> to vector<128x128xf32>
        %get3A_278 = arith.index_cast %while3A_272 : i32 to index
        %get3A_279 = arith.constant 0 : index
        %get3A_280 = arith.constant 0 : index
        %get3A_281 = vector.load %arg8[%get3A_278, %get3A_279, %get3A_280] : memref<16x128x128xf32, #tpu.memory_space<vmem>>, vector<1x128x128xf32>
        %get3A_282 = vector.shape_cast %get3A_281 : vector<1x128x128xf32> to vector<128x128xf32>
        %lt3A = vector.broadcast %broadcast_in_dim3A_244 : vector<128x1xf32> to vector<128x128xf32>
        %lt3A_283 = arith.cmpf olt, %get3A_277, %lt3A : vector<128x128xf32>
        %eq3A_284 = vector.broadcast %broadcast_in_dim3A_244 : vector<128x1xf32> to vector<128x128xf32>
        %eq3A_285 = arith.cmpf oeq, %get3A_277, %eq3A_284 : vector<128x128xf32>
        %le3A = vector.broadcast %broadcast_in_dim3A_249 : vector<128x1xf32> to vector<128x128xf32>
        %le3A_286 = arith.cmpf ole, %get3A_282, %le3A : vector<128x128xf32>
        %and3A = arith.andi %eq3A_285, %le3A_286 : vector<128x128xi1>
        %or3A = arith.ori %lt3A_283, %and3A : vector<128x128xi1>
        %convert_element_type3A_287 = arith.extui %or3A : vector<128x128xi1> to vector<128x128xi32>
        %reduce_sum3A = arith.constant dense<0> : vector<128xi32>
        %reduce_sum3A_288 = vector.multi_reduction <add>, %convert_element_type3A_287, %reduce_sum3A [1] : vector<128x128xi32> to vector<128xi32>
        %broadcast_in_dim3A_289 = vector.shape_cast %reduce_sum3A_288 : vector<128xi32> to vector<128x1xi32>
        %add3A_290 = arith.addi %while3A_273, %broadcast_in_dim3A_289 : vector<128x1xi32>
        scf.yield %add3A_290 : vector<128x1xi32>
      }
      %reduce_min3A_264 = vector.shape_cast %while3A_263 : vector<128x1xi32> to vector<1x128x1xi32>
      %reduce_min3A_265 = arith.constant dense<2147483647> : vector<1xi32>
      %reduce_min3A_266 = vector.multi_reduction <minsi>, %reduce_min3A_264, %reduce_min3A_265 [1, 2] : vector<1x128x1xi32> to vector<1xi32>
      %reduce_min3A_267 = vector.shape_cast %reduce_min3A_266 : vector<1xi32> to vector<1x1x1xi32>
      %reduce_min3A_268 = vector.extract %reduce_min3A_267[0, 0, 0] : i32 from vector<1x1x1xi32>
      %ge3A = arith.constant 16 : i32
      %ge3A_269 = arith.cmpi sge, %reduce_min3A_268, %ge3A : i32
      %add3A_270 = arith.constant 1 : i32
      %add3A_271 = arith.addi %while3A_221, %add3A_270 : i32
      scf.yield %add3A_271, %scan3A_229#0, %scan3A_229#1, %ge3A_269 : i32, vector<128x128xf32>, vector<128x128xf32>, i1
    }
    %broadcast_in_dim3A_205 = arith.constant 0xFF800000 : f32
    %broadcast_in_dim3A_206 = vector.broadcast %broadcast_in_dim3A_205 : f32 to vector<128x1xf32>
    %broadcast_in_dim3A_207 = arith.constant -1.000000e+00 : f32
    %broadcast_in_dim3A_208 = vector.broadcast %broadcast_in_dim3A_207 : f32 to vector<128x1xf32>
    %broadcast_in_dim3A_209 = arith.constant 0.000000e+00 : f32
    %broadcast_in_dim3A_210 = vector.broadcast %broadcast_in_dim3A_209 : f32 to vector<128x16xf32>
    %scan3A_211 = arith.constant 0 : i32
    %scan3A_212 = arith.constant 16 : i32
    %scan3A_213 = arith.addi %scan3A_211, %scan3A_212 : i32
    %scan3A_214 = arith.constant 1 : i32
    %scan3A_215:3 = scf.for %scan3A_221 = %scan3A_211 to %scan3A_213 step %scan3A_214 iter_args(%scan3A_222 = %broadcast_in_dim3A_206, %scan3A_223 = %broadcast_in_dim3A_208, %scan3A_224 = %broadcast_in_dim3A_210) -> (vector<128x1xf32>, vector<128x1xf32>, vector<128x16xf32>)  : i32 {
      %while3A_225 = arith.constant 0 : i32
      %while3A_226 = arith.subi %while3A_204#0, %while3A_225 : i32
      %while3A_227 = arith.addi %while3A_225, %while3A_226 : i32
      %while3A_228 = arith.constant 1 : i32
      %while3A_229 = arith.divsi %while3A_226, %while3A_228 : i32
      %while3A_230 = arith.muli %while3A_229, %while3A_228 : i32
      %while3A_231 = arith.addi %while3A_225, %while3A_230 : i32
      %while3A_232 = arith.constant 1 : i32
      %while3A_233:2 = scf.for %while3A_248 = %while3A_225 to %while3A_231 step %while3A_232 iter_args(%while3A_249 = %broadcast_in_dim3A_5, %while3A_250 = %broadcast_in_dim3A_7) -> (vector<128x128xf32>, vector<128x128xf32>)  : i32 {
        %get3A = arith.index_cast %while3A_248 : i32 to index
        %get3A_251 = arith.constant 0 : index
        %get3A_252 = arith.constant 0 : index
        %get3A_253 = vector.load %arg7[%get3A, %get3A_251, %get3A_252] : memref<16x128x128xf32, #tpu.memory_space<vmem>>, vector<1x128x128xf32>
        %get3A_254 = vector.shape_cast %get3A_253 : vector<1x128x128xf32> to vector<128x128xf32>
        %get3A_255 = arith.index_cast %while3A_248 : i32 to index
        %get3A_256 = arith.constant 0 : index
        %get3A_257 = arith.constant 0 : index
        %get3A_258 = vector.load %arg8[%get3A_255, %get3A_256, %get3A_257] : memref<16x128x128xf32, #tpu.memory_space<vmem>>, vector<1x128x128xf32>
        %get3A_259 = vector.shape_cast %get3A_258 : vector<1x128x128xf32> to vector<128x128xf32>
        %gt3A = vector.broadcast %scan3A_222 : vector<128x1xf32> to vector<128x128xf32>
        %gt3A_260 = arith.cmpf ogt, %get3A_254, %gt3A : vector<128x128xf32>
        %eq3A_261 = vector.broadcast %scan3A_222 : vector<128x1xf32> to vector<128x128xf32>
        %eq3A_262 = arith.cmpf oeq, %get3A_254, %eq3A_261 : vector<128x128xf32>
        %gt3A_263 = vector.broadcast %scan3A_223 : vector<128x1xf32> to vector<128x128xf32>
        %gt3A_264 = arith.cmpf ogt, %get3A_259, %gt3A_263 : vector<128x128xf32>
        %and3A = arith.andi %eq3A_262, %gt3A_264 : vector<128x128xi1>
        %or3A = arith.ori %gt3A_260, %and3A : vector<128x128xi1>
        %jit3A_265 = arith.constant 0x7F800000 : f32
        %broadcast_in_dim3A_266 = vector.broadcast %jit3A_265 : f32 to vector<128x128xf32>
        %select_n3A_267 = arith.select %or3A, %get3A_254, %broadcast_in_dim3A_266 : vector<128x128xi1>, vector<128x128xf32>
        %lt3A = arith.cmpf olt, %select_n3A_267, %while3A_249 : vector<128x128xf32>
        %eq3A_268 = arith.cmpf oeq, %select_n3A_267, %while3A_249 : vector<128x128xf32>
        %lt3A_269 = arith.cmpf olt, %get3A_259, %while3A_250 : vector<128x128xf32>
        %and3A_270 = arith.andi %eq3A_268, %lt3A_269 : vector<128x128xi1>
        %or3A_271 = arith.ori %lt3A, %and3A_270 : vector<128x128xi1>
        %select_n3A_272 = arith.select %or3A_271, %select_n3A_267, %while3A_249 : vector<128x128xi1>, vector<128x128xf32>
        %select_n3A_273 = arith.select %or3A_271, %get3A_259, %while3A_250 : vector<128x128xi1>, vector<128x128xf32>
        scf.yield %select_n3A_272, %select_n3A_273 : vector<128x128xf32>, vector<128x128xf32>
      }
      %while3A_234 = arith.constant 1 : i32
      %while3A_235:2 = scf.for %while3A_248 = %while3A_231 to %while3A_227 step %while3A_234 iter_args(%while3A_249 = %while3A_233#0, %while3A_250 = %while3A_233#1) -> (vector<128x128xf32>, vector<128x128xf32>)  : i32 {
        %get3A = arith.index_cast %while3A_248 : i32 to index
        %get3A_251 = arith.constant 0 : index
        %get3A_252 = arith.constant 0 : index
        %get3A_253 = vector.load %arg7[%get3A, %get3A_251, %get3A_252] : memref<16x128x128xf32, #tpu.memory_space<vmem>>, vector<1x128x128xf32>
        %get3A_254 = vector.shape_cast %get3A_253 : vector<1x128x128xf32> to vector<128x128xf32>
        %get3A_255 = arith.index_cast %while3A_248 : i32 to index
        %get3A_256 = arith.constant 0 : index
        %get3A_257 = arith.constant 0 : index
        %get3A_258 = vector.load %arg8[%get3A_255, %get3A_256, %get3A_257] : memref<16x128x128xf32, #tpu.memory_space<vmem>>, vector<1x128x128xf32>
        %get3A_259 = vector.shape_cast %get3A_258 : vector<1x128x128xf32> to vector<128x128xf32>
        %gt3A = vector.broadcast %scan3A_222 : vector<128x1xf32> to vector<128x128xf32>
        %gt3A_260 = arith.cmpf ogt, %get3A_254, %gt3A : vector<128x128xf32>
        %eq3A_261 = vector.broadcast %scan3A_222 : vector<128x1xf32> to vector<128x128xf32>
        %eq3A_262 = arith.cmpf oeq, %get3A_254, %eq3A_261 : vector<128x128xf32>
        %gt3A_263 = vector.broadcast %scan3A_223 : vector<128x1xf32> to vector<128x128xf32>
        %gt3A_264 = arith.cmpf ogt, %get3A_259, %gt3A_263 : vector<128x128xf32>
        %and3A = arith.andi %eq3A_262, %gt3A_264 : vector<128x128xi1>
        %or3A = arith.ori %gt3A_260, %and3A : vector<128x128xi1>
        %jit3A_265 = arith.constant 0x7F800000 : f32
        %broadcast_in_dim3A_266 = vector.broadcast %jit3A_265 : f32 to vector<128x128xf32>
        %select_n3A_267 = arith.select %or3A, %get3A_254, %broadcast_in_dim3A_266 : vector<128x128xi1>, vector<128x128xf32>
        %lt3A = arith.cmpf olt, %select_n3A_267, %while3A_249 : vector<128x128xf32>
        %eq3A_268 = arith.cmpf oeq, %select_n3A_267, %while3A_249 : vector<128x128xf32>
        %lt3A_269 = arith.cmpf olt, %get3A_259, %while3A_250 : vector<128x128xf32>
        %and3A_270 = arith.andi %eq3A_268, %lt3A_269 : vector<128x128xi1>
        %or3A_271 = arith.ori %lt3A, %and3A_270 : vector<128x128xi1>
        %select_n3A_272 = arith.select %or3A_271, %select_n3A_267, %while3A_249 : vector<128x128xi1>, vector<128x128xf32>
        %select_n3A_273 = arith.select %or3A_271, %get3A_259, %while3A_250 : vector<128x128xi1>, vector<128x128xf32>
        scf.yield %select_n3A_272, %select_n3A_273 : vector<128x128xf32>, vector<128x128xf32>
      }
      %reduce_min3A = arith.constant dense<0x7F800000> : vector<128xf32>
      %reduce_min3A_236 = vector.multi_reduction <minimumf>, %while3A_235#0, %reduce_min3A [1] : vector<128x128xf32> to vector<128xf32>
      %broadcast_in_dim3A_237 = vector.shape_cast %reduce_min3A_236 : vector<128xf32> to vector<128x1xf32>
      %eq3A = vector.broadcast %broadcast_in_dim3A_237 : vector<128x1xf32> to vector<128x128xf32>
      %eq3A_238 = arith.cmpf oeq, %while3A_235#0, %eq3A : vector<128x128xf32>
      %jit3A = arith.constant 1.638400e+04 : f32
      %broadcast_in_dim3A_239 = vector.broadcast %jit3A : f32 to vector<128x128xf32>
      %select_n3A = arith.select %eq3A_238, %while3A_235#1, %broadcast_in_dim3A_239 : vector<128x128xi1>, vector<128x128xf32>
      %reduce_min3A_240 = arith.constant dense<0x7F800000> : vector<128xf32>
      %reduce_min3A_241 = vector.multi_reduction <minimumf>, %select_n3A, %reduce_min3A_240 [1] : vector<128x128xf32> to vector<128xf32>
      %broadcast_in_dim3A_242 = vector.shape_cast %reduce_min3A_241 : vector<128xf32> to vector<128x1xf32>
      %eq3A_243 = vector.broadcast %scan3A_221 : i32 to vector<128x16xi32>
      %eq3A_244 = arith.cmpi eq, %iota3A_4, %eq3A_243 : vector<128x16xi32>
      %broadcast_in_dim3A_245 = vector.shape_cast %broadcast_in_dim3A_242 : vector<128x1xf32> to vector<128x1xf32>
      %broadcast_in_dim3A_246 = vector.broadcast %broadcast_in_dim3A_245 : vector<128x1xf32> to vector<128x16xf32>
      %select_n3A_247 = arith.select %eq3A_244, %broadcast_in_dim3A_246, %scan3A_224 : vector<128x16xi1>, vector<128x16xf32>
      scf.yield %broadcast_in_dim3A_237, %broadcast_in_dim3A_242, %select_n3A_247 : vector<128x1xf32>, vector<128x1xf32>, vector<128x16xf32>
    }
    %scan3A_216 = arith.constant 16 : i32
    %convert_element_type3A_217 = arith.fptosi %scan3A_215#2 : vector<128x16xf32> to vector<128x16xi32>
    %swap3A_218 = arith.constant 0 : index
    %swap3A_219 = arith.constant 0 : index
    %swap3A_220 = vector.load %arg5[%swap3A_218, %swap3A_219] : memref<128x16xi32, #tpu.memory_space<vmem>>, vector<128x16xi32>
    tpu.vector_store %arg5[%swap3A_218, %swap3A_219], %convert_element_type3A_217 {strides = array<i32>} : memref<128x16xi32, #tpu.memory_space<vmem>>, vector<128x16xi32>,
    return
  }
  func.func @transform_0(%arg0: i32) -> (i32, i32) {
    %c0_i32 = arith.constant 0 : i32
    %c0_i32_0 = arith.constant 0 : i32
    return %arg0, %c0_i32 : i32, i32
  }
  func.func @transform_1(%arg0: i32) -> (i32, i32, i32) {
    %c0_i32 = arith.constant 0 : i32
    %c0_i32_0 = arith.constant 0 : i32
    %c0_i32_1 = arith.constant 0 : i32
    %c0_i32_2 = arith.constant 0 : i32
    return %c0_i32, %c0_i32_0, %c0_i32_1 : i32, i32, i32
  }
  func.func @transform_2(%arg0: i32) -> (i32, i32) {
    %c0_i32 = arith.constant 0 : i32
    %c0_i32_0 = arith.constant 0 : i32
    return %arg0, %c0_i32 : i32, i32
  }
  func.func @transform_3(%arg0: i32) -> (i32, i32, i32) {
    %c0_i32 = arith.constant 0 : i32
    %c0_i32_0 = arith.constant 0 : i32
    %c0_i32_1 = arith.constant 0 : i32
    %c0_i32_2 = arith.constant 0 : i32
    return %c0_i32, %c0_i32_0, %c0_i32_1 : i32, i32, i32
  }
  func.func @transform_4(%arg0: i32) -> (i32, i32) {
    %c0_i32 = arith.constant 0 : i32
    %c0_i32_0 = arith.constant 0 : i32
    return %arg0, %c0_i32 : i32, i32
  }
}

module attributes {stable_mosaic.version = 14 : i64} {
  func.func @_mlp_body(%arg0: i32, %arg1: memref<16x65536xf32, #tpu.memory_space<vmem>>, %arg2: memref<16x16xf32, #tpu.memory_space<vmem>>, %arg3: memref<16x1xf32, #tpu.memory_space<vmem>>, %arg4: memref<1x16xf32, #tpu.memory_space<vmem>>, %arg5: memref<1x1xf32, #tpu.memory_space<vmem>>, %arg6: memref<1x1x65536xf32, #tpu.memory_space<vmem>>) attributes {dimension_semantics = [#tpu.dimension_semantics<arbitrary>], iteration_bounds = array<i64: 16>, scalar_prefetch = 0 : i64, scratch_operands = 0 : i64, tpu.core_type = #tpu.core_type<tc>, window_params = [{transform_indices = @transform_0, window_bounds = array<i64: 16, 65536>}, {pipeline_mode = #tpu.pipeline_mode<synchronous>, transform_indices = @transform_1, window_bounds = array<i64: 16, 16>}, {pipeline_mode = #tpu.pipeline_mode<synchronous>, transform_indices = @transform_2, window_bounds = array<i64: 16, 1>}, {pipeline_mode = #tpu.pipeline_mode<synchronous>, transform_indices = @transform_3, window_bounds = array<i64: 1, 16>}, {pipeline_mode = #tpu.pipeline_mode<synchronous>, transform_indices = @transform_4, window_bounds = array<i64: 1, 1>}, {transform_indices = @transform_5, window_bounds = array<i64: 1, 1, 65536>}]} {
    %get3A = arith.constant 0 : index
    %get3A_0 = arith.constant 0 : index
    %get3A_1 = vector.load %arg2[%get3A, %get3A_0] : memref<16x16xf32, #tpu.memory_space<vmem>>, vector<16x16xf32>
    %get3A_2 = arith.constant 0 : index
    %get3A_3 = arith.constant 0 : index
    %get3A_4 = vector.load %arg1[%get3A_2, %get3A_3] : memref<16x65536xf32, #tpu.memory_space<vmem>>, vector<16x65536xf32>
    %dot_general3A = arith.constant dense<0.000000e+00> : vector<16x65536xf32>
    %dot_general3A_5 = tpu.matmul %get3A_1, %get3A_4, %dot_general3A {dimension_numbers = #tpu.dot_dimension_numbers<[1], [0], [0], [1], [0, 0, 1, 1], [], []>, transpose_lhs_hint = false} : vector<16x16xf32>, vector<16x65536xf32>, vector<16x65536xf32> -> vector<16x65536xf32>
    %get3A_6 = arith.constant 0 : index
    %get3A_7 = arith.constant 0 : index
    %get3A_8 = vector.load %arg3[%get3A_6, %get3A_7] : memref<16x1xf32, #tpu.memory_space<vmem>>, vector<16x1xf32>
    %add3A = vector.broadcast %get3A_8 : vector<16x1xf32> to vector<16x65536xf32>
    %add3A_9 = arith.addf %dot_general3A_5, %add3A : vector<16x65536xf32>
    %max3A = arith.constant 0.000000e+00 : f32
    %max3A_10 = vector.broadcast %max3A : f32 to vector<16x65536xf32>
    %max3A_11 = arith.maximumf %add3A_9, %max3A_10 : vector<16x65536xf32>
    %get3A_12 = arith.constant 0 : index
    %get3A_13 = arith.constant 0 : index
    %get3A_14 = vector.load %arg4[%get3A_12, %get3A_13] : memref<1x16xf32, #tpu.memory_space<vmem>>, vector<1x16xf32>
    %dot_general3A_15 = arith.constant dense<0.000000e+00> : vector<1x65536xf32>
    %dot_general3A_16 = tpu.matmul %get3A_14, %max3A_11, %dot_general3A_15 {dimension_numbers = #tpu.dot_dimension_numbers<[1], [0], [0], [1], [0, 0, 1, 1], [], []>, transpose_lhs_hint = false} : vector<1x16xf32>, vector<16x65536xf32>, vector<1x65536xf32> -> vector<1x65536xf32>
    %get3A_17 = arith.constant 0 : index
    %get3A_18 = arith.constant 0 : index
    %get3A_19 = vector.load %arg5[%get3A_17, %get3A_18] : memref<1x1xf32, #tpu.memory_space<vmem>>, vector<1x1xf32>
    %add3A_20 = vector.broadcast %get3A_19 : vector<1x1xf32> to vector<1x65536xf32>
    %add3A_21 = arith.addf %dot_general3A_16, %add3A_20 : vector<1x65536xf32>
    %reshape3A = vector.shape_cast %add3A_21 : vector<1x65536xf32> to vector<1x1x65536xf32>
    %swap3A = arith.constant 0 : index
    %swap3A_22 = arith.constant 0 : index
    %swap3A_23 = arith.constant 0 : index
    %swap3A_24 = vector.load %arg6[%swap3A, %swap3A_22, %swap3A_23] : memref<1x1x65536xf32, #tpu.memory_space<vmem>>, vector<1x1x65536xf32>
    tpu.vector_store %arg6[%swap3A, %swap3A_22, %swap3A_23], %reshape3A {strides = array<i32>} : memref<1x1x65536xf32, #tpu.memory_space<vmem>>, vector<1x1x65536xf32>,
    return
  }
  func.func @transform_0(%arg0: i32) -> (i32, i32) {
    %c0_i32 = arith.constant 0 : i32
    %c0_i32_0 = arith.constant 0 : i32
    return %c0_i32, %arg0 : i32, i32
  }
  func.func @transform_1(%arg0: i32) -> (i32, i32) {
    %c0_i32 = arith.constant 0 : i32
    %c0_i32_0 = arith.constant 0 : i32
    %c0_i32_1 = arith.constant 0 : i32
    return %c0_i32, %c0_i32_0 : i32, i32
  }
  func.func @transform_2(%arg0: i32) -> (i32, i32) {
    %c0_i32 = arith.constant 0 : i32
    %c0_i32_0 = arith.constant 0 : i32
    %c0_i32_1 = arith.constant 0 : i32
    return %c0_i32, %c0_i32_0 : i32, i32
  }
  func.func @transform_3(%arg0: i32) -> (i32, i32) {
    %c0_i32 = arith.constant 0 : i32
    %c0_i32_0 = arith.constant 0 : i32
    %c0_i32_1 = arith.constant 0 : i32
    return %c0_i32, %c0_i32_0 : i32, i32
  }
  func.func @transform_4(%arg0: i32) -> (i32, i32) {
    %c0_i32 = arith.constant 0 : i32
    %c0_i32_0 = arith.constant 0 : i32
    %c0_i32_1 = arith.constant 0 : i32
    return %c0_i32, %c0_i32_0 : i32, i32
  }
  func.func @transform_5(%arg0: i32) -> (i32, i32, i32) {
    %c0_i32 = arith.constant 0 : i32
    %c0_i32_0 = arith.constant 0 : i32
    %c0_i32_1 = arith.constant 0 : i32
    return %arg0, %c0_i32, %c0_i32_0 : i32, i32, i32
  }
}

</mosaic_0001>

<sc_bundles>
// kernel: kernel.5.cloned.1.call-start
scs
__scs_entry_jumppad:
0x0: {  	(pc) =	sbr.rel $0x88, $3  }
0x1: {  	(tag) =	ssettag $0x0;
	lr =	simm.s32 $0x1  }
0x2: {  	[smem:$0x3F97] =	sst lr;
	_ =	strace $0xD0000000  }
0x3: {  	_ = 	snop  }
0x4: {  	_ = 	snop  }
0x5: {  	_ = 	snop  }
0x6: {  	_ = 	snop  }
0x7: {  	_ = 	snop  }
__scs_overlays_trampoline_lowered:
0x8: {  	[smem:$0x3FA6] =	sst s0  }
0x9: {  	[smem:$0x3FA7] =	sst s1  }
0xa: {  	[smem:$0x3FA8] =	sst s2  }
0xb: {  	[smem:$0x3FA9] =	sst s3  }
0xc: {  	[smem:$0x3FAA] =	sst s4  }
0xd: {  	[smem:$0x3FAB] =	sst s5  }
0xe: {  	[smem:$0x3FAC] =	sst s6  }
0xf: {  	[smem:$0x3FAD] =	sst s7  }
0x10: {  	[smem:$0x3FAE] =	sst s8  }
0x11: {  	[smem:$0x3FAF] =	sst s9;
	s0 =	simm.s32 @!p0 $0x0  }
0x12: {  	s1 =	sld [smem:$0x3F95];
	s0 =	simm.s32 @p0 $0x1  }
0x13: {  	[smem:$0x3FB0] =	sst s0;
	s0 =	simm.s32 @!p1 $0x0  }
0x14: {  	s2 =	sld [smem:$0x3F94];
	s0 =	simm.s32 @p1 $0x1  }
0x15: {  	[smem:$0x3FB1] =	sst s0;
	s0 =	simm.s32 @!p2 $0x0  }
0x16: {  	s3 =	sld [smem:$0x3FDB];
	s0 =	simm.s32 @p2 $0x1  }
0x17: {  	s4 =	simm.s32 $0x1BF5;
	[smem:$0x3FB3] =	sst s0  }
0x18: {  	s0 =	sld [smem:$0x3F96];
	_ =	swait.ge [sflag:s4], $0x0  }
0x19: {  	s7 =	sld [smem:$0x3F97]  }
0x1a: {  	s8 =	sadd.s32 $0xFFFFE003, lr  }
0x1b: {  	s9 =	sadd.s32 $0xFFFFFEF7, lr;
	s5 =	simm.s32 $0xFFFFFFFF;
	p2 =	slt.u32 s8, $0xFFFFF086  }
0x1c: {  	p1 =	slt.u32 s9, $0xF7A;
	s5 =	simm.s32 @!p2 $0x0  }
0x1d: {  	s5 =	simm.s32 @p1 $0x1;
	p0 =	seq.s32 s7, s2  }
0x1e: {  	s7 =	smul.u32 @!p0 $0xF7A, s2;
	p2 =	seq.s32 @!p0 s5, $0x0  }
0x1f: {  	s9 =	smul.u32 $0xF7A, s1;
	s8 =	simm.s32 @!p0 $0x1BF5;
	p2 =	por !p2, p0  }
0x20: {  	[sflag:s8] =	ssyncset.s32 @!p0 $0xFFFFF086;
	s6 =	sadd.s32 @!p0 s3, s7;
	s7 =	simm.s32 @!p0 $0x108  }
0x21: {  	s3 =	sadd.s32 s3, s9;
	s6 =	sadd.s32 @!p0 $0x88, s6;
	s7 =	simm.s32 @p2 $0x1082  }
0x22: {  	[simem:s7], [sflag:s8] =	dma.local @!p0 [hbm:s6], $0xF7A  }
0x23: {  	s9 =	sor.u32 $0xD0000000, s2;
	s6 =	simm.s32 $0x108;
	_ =	swait.ge @!p0 [sflag:s8], $0x0  }
0x24: {  	s3 =	sadd.s32 $0x88, s3;
	s6 =	simm.s32 @!p1 $0x1082;
	[sflag:s4] =	ssyncset.s32 $0xFFFFF086  }
0x25: {  	[simem:s6], [sflag:s4] =	dma.local [hbm:s3], $0xF7A  }
0x26: {  	[smem:$0x3F97] =	sst s1;
	(tag) =	ssettag s2;
	_ =	strace s9  }
0x27: {  	s1 =	sld [smem:$0x3FA7]  }
0x28: {  	s2 =	sld [smem:$0x3FA8]  }
0x29: {  	s4 =	sld [smem:$0x3FAA]  }
0x2a: {  	p0 =	seq.s32 s5, $0x0;
	s5 =	sld [smem:$0x3FAB]  }
0x2b: {  	s6 =	sld [smem:$0x3FAC]  }
0x2c: {  	s7 =	sld [smem:$0x3FAD]  }
0x2d: {  	s3 =	simm.s32 $0x108;
	s8 =	sld [smem:$0x3FAE]  }
0x2e: {  	s3 =	simm.s32 @!p0 $0x1082;
	s9 =	sld [smem:$0x3FAF]  }
0x2f: {  	lr =	sadd.s32 s0, s3;
	s0 =	sld [smem:$0x3FA6]  }
0x30: {  	s3 =	sld [smem:$0x3FA9]  }
0x31: {  	[smem:$0x3FB2] =	sst s10  }
0x32: {  	s10 =	sld [smem:$0x3FB0];
	_ =	sdelay $0x3  }
0x33: {  	p0 =	seq.s32 s10, $0x1;
	s10 =	sld [smem:$0x3FB2];
	_ =	sdelay $0x3  }
0x34: {  	[smem:$0x3FB2] =	sst s10  }
0x35: {  	s10 =	sld [smem:$0x3FB1];
	_ =	sdelay $0x3  }
0x36: {  	p1 =	seq.s32 s10, $0x1;
	s10 =	sld [smem:$0x3FB2];
	_ =	sdelay $0x3  }
0x37: {  	[smem:$0x3FB2] =	sst s10  }
0x38: {  	s10 =	sld [smem:$0x3FB3]  }
0x39: {  	_ = 	snop;
	(pc) =	sbr.ind lr, $3  }
0x3a: {  	_ = 	snop  }
0x3b: {  	_ = 	snop  }
0x3c: {  	p2 =	seq.s32 s10, $0x1;
	s10 =	sld [smem:$0x3FB2]  }
0x3d: {  	_ =	shalt  }
0x3e: {  	_ =	shalt  }
0x3f: {  	_ =	shalt  }
0x40: {  	_ =	shalt  }
0x41: {  	_ =	shalt  }
0x42: {  	_ =	shalt  }
0x43: {  	_ =	shalt  }
0x44: {  	_ =	shalt  }
0x45: {  	_ =	shalt  }
0x46: {  	_ =	shalt  }
0x47: {  	_ =	shalt  }
0x48: {  	_ =	shalt  }
0x49: {  	_ =	shalt  }
0x4a: {  	_ =	shalt  }
0x4b: {  	_ =	shalt  }
0x4c: {  	_ =	shalt  }
0x4d: {  	_ =	shalt  }
0x4e: {  	_ =	shalt  }
0x4f: {  	_ =	shalt  }
0x50: {  	_ =	shalt  }
0x51: {  	_ =	shalt  }
0x52: {  	_ =	shalt  }
0x53: {  	_ =	shalt  }
0x54: {  	_ =	shalt  }
0x55: {  	_ =	shalt  }
0x56: {  	_ =	shalt  }
0x57: {  	_ =	shalt  }
0x58: {  	_ =	shalt  }
0x59: {  	_ =	shalt  }
0x5a: {  	_ =	shalt  }
0x5b: {  	_ =	shalt  }
0x5c: {  	_ =	shalt  }
0x5d: {  	_ =	shalt  }
0x5e: {  	_ =	shalt  }
0x5f: {  	_ =	shalt  }
0x60: {  	_ =	shalt  }
0x61: {  	_ =	shalt  }
0x62: {  	_ =	shalt  }
0x63: {  	_ =	shalt  }
0x64: {  	_ =	shalt  }
0x65: {  	_ =	shalt  }
0x66: {  	_ =	shalt  }
0x67: {  	_ =	shalt  }
0x68: {  	_ =	shalt  }
0x69: {  	_ =	shalt  }
0x6a: {  	_ =	shalt  }
0x6b: {  	_ =	shalt  }
0x6c: {  	_ =	shalt  }
0x6d: {  	_ =	shalt  }
0x6e: {  	_ =	shalt  }
0x6f: {  	_ =	shalt  }
0x70: {  	_ =	shalt  }
0x71: {  	_ =	shalt  }
0x72: {  	_ =	shalt  }
0x73: {  	_ =	shalt  }
0x74: {  	_ =	shalt  }
0x75: {  	_ =	shalt  }
0x76: {  	_ =	shalt  }
0x77: {  	_ =	shalt  }
0x78: {  	_ =	shalt  }
0x79: {  	_ =	shalt  }
0x7a: {  	_ =	shalt  }
0x7b: {  	_ =	shalt  }
0x7c: {  	_ =	shalt  }
0x7d: {  	_ =	shalt  }
0x7e: {  	_ =	shalt  }
0x7f: {  	_ =	shalt  }
0x80: {  	_ =	shalt  }
0x81: {  	_ =	shalt  }
0x82: {  	_ =	shalt  }
0x83: {  	_ =	shalt  }
0x84: {  	_ =	shalt  }
0x85: {  	_ =	shalt  }
0x86: {  	_ =	shalt  }
0x87: {  	_ =	shalt  }
.Lfunc_end0:
.L_simem_size_0:
called_computation_lowered:
.L_overlay_start_0:
0x88: {  	s2 =	sld [smem:$0x3FD9]  }
0x89: {  	s3 =	sld [smem:$0x3FFE];
	_ =	sdelay $0x1  }
0x8a: {  	s1 =	srdreg.scid  }
0x8b: {  	s0 =	sand.u32 $0x1, s1  }
0x8c: {  	s17 =	sshll.u32 s0, $0xA;
	s2 =	sadd.s32 s3, s2  }
0x8d: {  	s2 =	sadd.s32 s2, s17  }
0x8e: {  	[smem:$0x3FBE] =	sst s2  }
0x8f: {  	_ = 	snop  }
0x90: {  	s2 =	sld [smem:$0x3FC7]  }
0x91: {  	s18 =	sld [smem:$0x3FD0];
	(tm) =	ssettm $0x1  }
0x92: {  	s4 =	sld [smem:$0x3FFB];
	_ =	sdelay $0x3  }
0x93: {  	_ =	strace s4  }
0x94: {  	s4 =	sld [smem:$0x3FFC];
	_ =	sdelay $0x3  }
0x95: {  	_ =	strace s4  }
0x96: {  	s4 =	sld [smem:$0x3FFD];
	_ =	sdelay $0x3  }
0x97: {  	_ =	strace s4  }
0x98: {  	_ =	strace $0x8FFFFFFF  }
0x99: {  	s19 =	sld [smem:$0x3FDB];
	_ =	sdelay $0x1  }
0x9a: {  	s5 =	simm.s32 $_scs_section_size  }
0x9b: {  	s6 =	simm.s32 $_size__tile_overlayer_lowered;
	s7 =	simm.s32 $_tile_overlayer_lowered  }
0x9c: {  	s22 =	simm.s32 $0x1BFF;
	s21 =	sshll.u32 s7, $0x1;
	s4 =	sadd.s32 s5, s19  }
0x9d: {  	s8 =	simm.s32 $0x0;
	s20 =	sshll.u32 s6, $0x1;
	s6 =	sadd.s32 s21, s4  }
0x9e: {  	[timem:s8], [sflag:s22] =	dma.local [hbm:s6], s20  }
0x9f: {  	_ =	swait.ge [sflag:s22], s20  }
0xa0: {  	s5 =	ssub.s32 $0x0, s20;
	[sflag:s22] =	ssyncset.done $0x0  }
0xa1: {  	[sflag:s22] =	ssyncadd.s32 s5;
	_ =	sdelay $0x1  }
0xa2: {  	s23 =	simm.s32 $0x1B8B  }
0xa3: {  	_ =	swait.ge [sflag:s23], $0x1  }
0xa4: {  	[sflag:s23] =	ssyncset.done $0x0  }
0xa5: {  	s25 =	simm.s32 $0x1B8E;
	s24 =	sld [smem:$0x3FFE];
	[sflag:s23] =	ssyncadd.s32 $0xFFFFFFFF  }
0xa6: {  	s26 =	simm.s32 $execute0_lowered;
	[smem:$0x3FD2] =	sst s25  }
0xa7: {  	s6 =	sshll.u32 s26, $0x1;
	_ =	strace $0x80000046;
	[dreg:$0x1] =	wrdreg $0xFFFFFFFF  }
0xa8: {  	s28 =	simm.s32 $_size_execute0_lowered;
	s4 =	sadd.s32 s4, s6;
	[dreg:$0x0] =	wrdreg $0x0  }
0xa9: {  	s6 =	sshll.u32 s28, $0x1;
	[dreg:$0x2] =	wrdreg s4  }
0xaa: {  	[dreg:$0x3] =	wrdreg s6  }
0xab: {  	[dreg:$0x4] =	wrdreg $0xC0  }
0xac: {  	_ =	task [dreg:s8], $0x5FFFF  }
0xad: {  	[dreg:$0x1] =	wrdreg $0xFFFFFFFF  }
0xae: {  	[dreg:$0x0] =	wrdreg $0x60  }
0xaf: {  	[dreg:$0x2] =	wrdreg s2  }
0xb0: {  	[dreg:$0x3] =	wrdreg s18  }
0xb1: {  	[dreg:$0x4] =	wrdreg s24  }
0xb2: {  	[dreg:$0x5] =	wrdreg $0x9  }
0xb3: {  	_ =	task.clear_ibuf [dreg:s8], $0x6FFFF;
	_ =	strace $0x90000046  }
0xb4: {  	s29 =	simm.s32 $0x9;
	_ =	strace $0x80000048  }
0xb5: {  	_ =	swait.ge [sflag:s29], $0x1  }
0xb6: {  	[sflag:s29] =	ssyncadd.s32 $0xFFFFFFFF  }
0xb7: {  	_ =	strace $0x90000048  }
0xb8: {  	_ =	sfence  }
0xb9: {  	s30 =	sld [smem:$0x0];
	_ =	sdelay $0x2  }
0xba: {  	s31 =	sshll.u32 s1, $0xD;
	s1 =	sshrl.u32 s1, $0x2  }
0xbb: {  	s3 =	sand.u32 $0x4000, s31;
	s1 =	sadd.s32 s1, s30  }
0xbc: {  	s0 =	sor.u32 s3, s0;
	s1 =	sshll.u32 s1, $0x11  }
0xbd: {  	s0 =	sor.u32 s1, s0  }
0xbe: {  	s0 =	sadd.s32 $0x8F2B, s0  }
0xbf: {  	[sflag:s0] =	ssyncadd.remote.s32 $0x1  }
0xc0: {  	_ =	sfence.sel $0xFFFF  }
0xc1: {  	[dreg:$0x0] =	wrdreg $0xFFFFFFFF;
	(pc) =	sbr.abs _section_cstart, $3  }
0xc2: {  	[dreg:$0x1] =	wrdreg $0xFFFFFFFF  }
0xc3: {  	_ =	task.clear_ibuf [dreg:s8], $0x2FFFF;
	_ =	strace $0x9FFFFFFF  }
0xc4: {  	(tm) =	ssettm $0x7FFFFFFF  }
0xc5: {  	_ =	shalt  }
tec
execute0_lowered:
.L_overlay_start_1:
0x0: {  	(tag) =	ssettag $0x1  }
0x1: {  	s1 =	rddreg [dreg:$0x0]  }
0x2: {  	s6 =	rddreg [dreg:$0x1]  }
0x3: {  	s4 =	rddreg [dreg:$0x2]  }
0x4: {  	s0 =	rddreg [dreg:$0x3]  }
0x5: {  	s3 =	simm.s32 $0x0;
	s2 =	stileid.u32;
	s5 =	srdreg.scid  }
0x6: {  	s11 =	simm.s32 $0x1880;
	s12 =	simm.s32 $0x2080;
	s13 =	simm.s32 $0x2880  }
0x7: {  	s14 =	simm.s32 $0x3080;
	s15 =	simm.s32 $0x3880;
	s16 =	simm.s32 $0x4080  }
0x8: {  	s17 =	simm.s32 $0x4880;
	s18 =	simm.s32 $0x5080;
	s19 =	simm.s32 $0x5880  }
0x9: {  	s20 =	simm.s32 $0x6080;
	s21 =	simm.s32 $0x6880;
	s22 =	simm.s32 $0x7080  }
0xa: {  	s23 =	simm.s32 $0x7880;
	s24 =	simm.s32 $0x1;
	s25 =	simm.s32 $0x0  }
0xb: {  	[smem:$0x7FF] =	sst s3;
	s7 =	sshll.u32 s2, $0x11;
	s5 =	sand.u32 $0x1, s5  }
0xc: {  	s9 =	sshll.u32 s2, $0xC;
	_ =	strace $0x80000047;
	s7 =	sadd.s32 s7, s4  }
0xd: {  	s29 =	ssub.s32 $0x2, s5;
	s10 =	sshll.u32 s5, $0xB;
	s5 =	sshll.u32 s5, $0x10  }
0xe: {  	s8 =	sshrl.u32 s29, $0x1;
	s30 =	sor.u32 s10, s9;
	s5 =	sadd.s32 s5, s7  }
0xf: {  	v2 =	vlaneseq.u32;
	s7 =	simm.s32 $0x2;
	s9 =	simm.s32 $0x880;
	s10 =	simm.s32 $0x1080  }
0x10: {  	vm0 =	vmmov $0xffff;
	v1 =	vshrl.u32 v2, $0x3;
	s4 =	ssub.s32 s29, s8;
	s31 =	sshrl.u32 s30, $0x3;
	s5 =	sadd.s32 $0x400, s5  }
0x11: {  	v0 =	vand.u32 $0x7, v2;
	v2 =	vor.u32 $0x8, v2;
	v1 =	vmul.u32 $0x8, v1;
	s8 =	simm.s32 $0x80;
	s4 =	smax.u32 s4, $0x1;
	s6 =	sadd.s32 s31, s6  }
.LBB2_1:
0x12: {  	s26 =	smov.u32 s5;
	s28 =	simm.s32 $0x0  }
.LBB2_2:
0x13: {  	s29 =	sadd.s32 s28, s6  }
0x14: {  	[tilespmem:s3], [sflag:$0x2] =	stream.linear.gather [hbm4b:s29+s3], $0x80, $0x38;
	[tilespmem:$0x8080] =	vst v63  }
0x15: {  	_ =	swait.ge [sflag:s7], $0x80  }
0x16: {  	[sflag:s7] =	ssyncset.done $0x0  }
0x17: {  	[sflag:s7] =	ssyncadd.s32 $0xFFFFFF80  }
0x18: {  	v3 =	vld [tilespmem:$0x0];
	_ =	sdelay $0x4  }
0x19: {  	v4 =	vshll.u32 v3, $0x1  }
0x1a: {  	v3 =	vand.u32 $0x7, v3;
	v4 =	vand.u32 $0xFFFFFFF0, v4  }
0x1b: {  	v3 =	vor.u32 v3, v4  }
0x1c: {  	v4 =	vperm.xlane v3, v0;
	_ =	sdelay $0x1  }
0x1d: {  	v3 =	vperm.xlane v3, v2;
	v4 =	vadd.s32 v1, v4;
	_ =	sdelay $0x1  }
0x1e: {  	v3 =	vadd.s32 v1, v3;
	_ =	sdelay $0x2  }
0x1f: {  	[tilespmem:s8], [sflag:$0x1] =	stream.indirect_vreg.gather [hbm4b:s1+s3], $0x80, v4, vm0, $0xb8;
	[tilespmem:$0x8080] =	vst v63  }
0x20: {  	_ = 	snop  }
0x21: {  	[tilespmem:s9], [sflag:$0x1] =	stream.indirect_vreg.gather [hbm4b:s1+s3], $0x80, v3, vm0, $0xb8;
	[tilespmem:$0x8080] =	vst v63  }
0x22: {  	v3 =	vld [tilespmem:$0x10];
	_ =	sdelay $0x4  }
0x23: {  	v57 =	vshll.u32 v3, $0x1  }
0x24: {  	v3 =	vand.u32 $0x7, v3;
	v4 =	vand.u32 $0xFFFFFFF0, v57  }
0x25: {  	v3 =	vor.u32 v3, v4  }
0x26: {  	v4 =	vperm.xlane v3, v0;
	_ =	sdelay $0x1  }
0x27: {  	v3 =	vperm.xlane v3, v2;
	v4 =	vadd.s32 v1, v4;
	_ =	sdelay $0x1  }
0x28: {  	v3 =	vadd.s32 v1, v3;
	_ =	sdelay $0x2  }
0x29: {  	[tilespmem:s10], [sflag:$0x1] =	stream.indirect_vreg.gather [hbm4b:s1+s3], $0x80, v4, vm0, $0xb8;
	[tilespmem:$0x8080] =	vst v63  }
0x2a: {  	_ = 	snop  }
0x2b: {  	[tilespmem:s11], [sflag:$0x1] =	stream.indirect_vreg.gather [hbm4b:s1+s3], $0x80, v3, vm0, $0xb8;
	[tilespmem:$0x8080] =	vst v63  }
0x2c: {  	v3 =	vld [tilespmem:$0x20];
	_ =	sdelay $0x4  }
0x2d: {  	v58 =	vshll.u32 v3, $0x1  }
0x2e: {  	v3 =	vand.u32 $0x7, v3;
	v4 =	vand.u32 $0xFFFFFFF0, v58  }
0x2f: {  	v3 =	vor.u32 v3, v4  }
0x30: {  	v4 =	vperm.xlane v3, v0;
	_ =	sdelay $0x1  }
0x31: {  	v3 =	vperm.xlane v3, v2;
	v4 =	vadd.s32 v1, v4;
	_ =	sdelay $0x1  }
0x32: {  	v3 =	vadd.s32 v1, v3;
	_ =	sdelay $0x2  }
0x33: {  	[tilespmem:s12], [sflag:$0x1] =	stream.indirect_vreg.gather [hbm4b:s1+s3], $0x80, v4, vm0, $0xb8;
	[tilespmem:$0x8080] =	vst v63  }
0x34: {  	_ = 	snop  }
0x35: {  	[tilespmem:s13], [sflag:$0x1] =	stream.indirect_vreg.gather [hbm4b:s1+s3], $0x80, v3, vm0, $0xb8;
	[tilespmem:$0x8080] =	vst v63  }
0x36: {  	v3 =	vld [tilespmem:$0x30];
	_ =	sdelay $0x4  }
0x37: {  	v59 =	vshll.u32 v3, $0x1  }
0x38: {  	v3 =	vand.u32 $0x7, v3;
	v4 =	vand.u32 $0xFFFFFFF0, v59  }
0x39: {  	v3 =	vor.u32 v3, v4  }
0x3a: {  	v4 =	vperm.xlane v3, v0;
	_ =	sdelay $0x1  }
0x3b: {  	v3 =	vperm.xlane v3, v2;
	v4 =	vadd.s32 v1, v4;
	_ =	sdelay $0x1  }
0x3c: {  	v3 =	vadd.s32 v1, v3;
	_ =	sdelay $0x2  }
0x3d: {  	[tilespmem:s14], [sflag:$0x1] =	stream.indirect_vreg.gather [hbm4b:s1+s3], $0x80, v4, vm0, $0xb8;
	[tilespmem:$0x8080] =	vst v63  }
0x3e: {  	_ = 	snop  }
0x3f: {  	[tilespmem:s15], [sflag:$0x1] =	stream.indirect_vreg.gather [hbm4b:s1+s3], $0x80, v3, vm0, $0xb8;
	[tilespmem:$0x8080] =	vst v63  }
0x40: {  	v3 =	vld [tilespmem:$0x40];
	_ =	sdelay $0x4  }
0x41: {  	v60 =	vshll.u32 v3, $0x1  }
0x42: {  	v3 =	vand.u32 $0x7, v3;
	v4 =	vand.u32 $0xFFFFFFF0, v60  }
0x43: {  	v3 =	vor.u32 v3, v4  }
0x44: {  	v4 =	vperm.xlane v3, v0;
	_ =	sdelay $0x1  }
0x45: {  	v3 =	vperm.xlane v3, v2;
	v4 =	vadd.s32 v1, v4;
	_ =	sdelay $0x1  }
0x46: {  	v3 =	vadd.s32 v1, v3;
	_ =	sdelay $0x2  }
0x47: {  	[tilespmem:s16], [sflag:$0x1] =	stream.indirect_vreg.gather [hbm4b:s1+s3], $0x80, v4, vm0, $0xb8;
	[tilespmem:$0x8080] =	vst v63  }
0x48: {  	_ = 	snop  }
0x49: {  	[tilespmem:s17], [sflag:$0x1] =	stream.indirect_vreg.gather [hbm4b:s1+s3], $0x80, v3, vm0, $0xb8;
	[tilespmem:$0x8080] =	vst v63  }
0x4a: {  	v3 =	vld [tilespmem:$0x50];
	_ =	sdelay $0x4  }
0x4b: {  	v61 =	vshll.u32 v3, $0x1  }
0x4c: {  	v3 =	vand.u32 $0x7, v3;
	v4 =	vand.u32 $0xFFFFFFF0, v61  }
0x4d: {  	v3 =	vor.u32 v3, v4  }
0x4e: {  	v4 =	vperm.xlane v3, v0;
	_ =	sdelay $0x1  }
0x4f: {  	v3 =	vperm.xlane v3, v2;
	v4 =	vadd.s32 v1, v4;
	_ =	sdelay $0x1  }
0x50: {  	v3 =	vadd.s32 v1, v3;
	_ =	sdelay $0x2  }
0x51: {  	[tilespmem:s18], [sflag:$0x1] =	stream.indirect_vreg.gather [hbm4b:s1+s3], $0x80, v4, vm0, $0xb8;
	[tilespmem:$0x8080] =	vst v63  }
0x52: {  	_ = 	snop  }
0x53: {  	[tilespmem:s19], [sflag:$0x1] =	stream.indirect_vreg.gather [hbm4b:s1+s3], $0x80, v3, vm0, $0xb8;
	[tilespmem:$0x8080] =	vst v63  }
0x54: {  	v3 =	vld [tilespmem:$0x60];
	_ =	sdelay $0x4  }
0x55: {  	v62 =	vshll.u32 v3, $0x1  }
0x56: {  	v3 =	vand.u32 $0x7, v3;
	v4 =	vand.u32 $0xFFFFFFF0, v62  }
0x57: {  	v3 =	vor.u32 v3, v4  }
0x58: {  	v4 =	vperm.xlane v3, v0;
	_ =	sdelay $0x1  }
0x59: {  	v3 =	vperm.xlane v3, v2;
	v4 =	vadd.s32 v1, v4;
	_ =	sdelay $0x1  }
0x5a: {  	v3 =	vadd.s32 v1, v3;
	_ =	sdelay $0x2  }
0x5b: {  	[tilespmem:s20], [sflag:$0x1] =	stream.indirect_vreg.gather [hbm4b:s1+s3], $0x80, v4, vm0, $0xb8;
	[tilespmem:$0x8080] =	vst v63  }
0x5c: {  	_ = 	snop  }
0x5d: {  	[tilespmem:s21], [sflag:$0x1] =	stream.indirect_vreg.gather [hbm4b:s1+s3], $0x80, v3, vm0, $0xb8;
	[tilespmem:$0x8080] =	vst v63  }
0x5e: {  	v3 =	vld [tilespmem:$0x70];
	_ =	sdelay $0x4  }
0x5f: {  	v63 =	vshll.u32 v3, $0x1  }
0x60: {  	v3 =	vand.u32 $0x7, v3;
	v4 =	vand.u32 $0xFFFFFFF0, v63  }
0x61: {  	v3 =	vor.u32 v3, v4  }
0x62: {  	v4 =	vperm.xlane v3, v0;
	_ =	sdelay $0x1  }
0x63: {  	v3 =	vperm.xlane v3, v2;
	v4 =	vadd.s32 v1, v4;
	_ =	sdelay $0x1  }
0x64: {  	v3 =	vadd.s32 v1, v3;
	_ =	sdelay $0x2  }
0x65: {  	[tilespmem:s22], [sflag:$0x1] =	stream.indirect_vreg.gather [hbm4b:s1+s3], $0x80, v4, vm0, $0xb8;
	[tilespmem:$0x8080] =	vst v63  }
0x66: {  	_ = 	snop  }
0x67: {  	[tilespmem:s23], [sflag:$0x1] =	stream.indirect_vreg.gather [hbm4b:s1+s3], $0x80, v3, vm0, $0xb8;
	[tilespmem:$0x8080] =	vst v63  }
0x68: {  	_ =	swait.ge [sflag:s24], $0x8000  }
0x69: {  	p0 =	sne.s32 s28, $0xF0;
	[sflag:s24] =	ssyncset.done $0x0  }
.Ltmp0:
0x6a: {  	[sflag:s24] =	ssyncadd.s32 $0xFFFF8000;
	(pc) =	sbr.rel @p0 .LBB2_2-.Ltmp0, $4  }
0x6b: {  	[hbm4b:s26+s3] =	stream.linear.scatter [tilespmem:s8], [sflag:$0x2], $0x8000, $0x38;
	[tilespmem:$0x8080] =	vst v63  }
0x6c: {  	_ =	swait.ge [sflag:s7], $0x8000  }
0x6d: {  	[sflag:s7] =	ssyncset.done $0x0  }
0x6e: {  	s28 =	sadd.s32 $0x10, s28;
	s26 =	sadd.s32 $0x1000, s26;
	[sflag:s7] =	ssyncadd.s32 $0xFFFF8000  }
0x6f: {  	s25 =	sadd.s32 $0x1, s25  }
0x70: {  	p0 =	sne.s32 s25, s4  }
.Ltmp1:
0x71: {  	_ = 	snop;
	(pc) =	sbr.rel @p0 .LBB2_1-.Ltmp1, $1  }
0x72: {  	_ =	sdelay $0x3  }
0x73: {  	_ =	sfence.sel $0x180000  }
0x74: {  	[bflag:$0x0] =	sbarrier.arrive $0xFFFF  }
0x75: {  	p0 =	sne.s32 s2, $0x0;
	_ =	strace $0x90000047  }
0x76: {  	s0 =	sadd.s32 @!p0 $0x100000, s0;
	[bflag:$0x2] =	sbarrier.arrive $0xFFFF  }
0x77: {  	[sflag:s0] =	ssyncadd.tile.s32 @!p0 $0x1;
	_ =	shalt  }
.Lfunc_end2:
_tile_overlayer_lowered:
.L_overlay_start_2:
0x78: {  	(tag) =	ssettag $0x2  }
0x79: {  	s0 =	rddreg [dreg:$0x0];
	s2 =	stileid.u32  }
0x7a: {  	s1 =	rddreg [dreg:$0x1];
	p0 =	sne.s32 s2, $0x0  }
0x7b: {  	s3 =	rddreg [dreg:$0x2];
	[bflag:$0x3] =	sbarrier.arrive $0xFFFF;
	s2 =	simm.s32 @!p0 $0x1C02  }
0x7c: {  	[timem:s3], [sflag:s2] =	dma.local @!p0 [hbm:s0], s1  }
0x7d: {  	s0 =	simm.s32 @!p0 $0x2  }
0x7e: {  	_ =	swait.ge @!p0 [sflag:s0], s1  }
0x7f: {  	s1 =	ssub.s32 @!p0 $0x0, s1;
	[sflag:s0] =	ssyncset.done @!p0 $0x0  }
0x80: {  	[sflag:s0] =	ssyncadd.s32 @!p0 s1  }
0x81: {  	[bflag:$0x3] =	sbarrier.arrive $0xFFFF  }
0x82: {  	_ =	shalt  }

</sc_bundles>
